<compile_context>
chip_gen: v7x
topology: tpu7x:2x2x1
jax: 0.10.2.dev20260603
libtpu: 0.0.44.dev20260713+nightly
codegen_flags: <defaults>
</compile_context>

<pallas_src>
import functools

import jax
import jax.numpy as jnp
from jax import lax
from jax.experimental import pallas as pl
from jax.experimental.pallas import tpu as pltpu
from jax.experimental.pallas import tpu_sc as plsc

_N = 10000
_D = 128
_E = 320000
_NC = 2
_NS = 16
_NW = _NC * _NS
_CH = 64
_CPT = 160
_NCHUNK = _NW * _CPT
_EPAD = _NCHUNK * _CH
_NPAD = 10240
_RPT = _NPAD // _NS


def _mesh():
    return plsc.VectorSubcoreMesh(
        core_axis_name="c", subcore_axis_name="s",
        num_cores=_NC, num_subcores=_NS)


def _sc_degree(dstc, zvec, ones):
    @functools.partial(
        pl.kernel,
        out_type=jax.ShapeDtypeStruct((_NC * _NPAD,), jnp.float32),
        mesh=_mesh(),
        scratch_types=[
            pltpu.VMEM_SHARED((_NPAD,), jnp.float32),
            pltpu.VMEM((_CPT * _CH,), jnp.int32),
            pltpu.VMEM((_CPT * _CH,), jnp.float32),
            pltpu.VMEM((_RPT,), jnp.float32),
        ],
    )
    def k(dst_hbm, z_hbm, ones_hbm, out_hbm, deg_sh, idx_v, ones_v, buf_v):
        c = lax.axis_index("c")
        s = lax.axis_index("s")
        wid = s * _NC + c
        ept = _CPT * _CH
        pltpu.sync_copy(ones_hbm, ones_v)
        pltpu.sync_copy(dst_hbm.at[pl.ds(wid * ept, ept)], idx_v)
        pltpu.sync_copy(z_hbm, buf_v)
        pltpu.sync_copy(buf_v, deg_sh.at[pl.ds(s * _RPT, _RPT)])
        plsc.subcore_barrier()
        pltpu.sync_copy(ones_v, deg_sh.at[idx_v], add=True)
        plsc.subcore_barrier()
        pltpu.sync_copy(deg_sh.at[pl.ds(s * _RPT, _RPT)], buf_v)
        pltpu.sync_copy(buf_v, out_hbm.at[pl.ds(c * _NPAD + s * _RPT, _RPT)])

    return k(dstc, zvec, ones)


def _tc_prep(x, gamma, beta, W, degp):
    def body(x_ref, g_ref, be_ref, w_ref, deg_ref, hwp_ref, dis_ref):
        xv = x_ref[...]
        mean = jnp.mean(xv, axis=0, keepdims=True)
        xc = xv - mean
        var = jnp.mean(xc * xc, axis=0, keepdims=True)
        h = xc * lax.rsqrt(var + 1e-5) * g_ref[...] + be_ref[...]
        h = jnp.maximum(h, 0.0)
        hw = jnp.dot(h, w_ref[...], preferred_element_type=jnp.float32)
        deg = deg_ref[0] + deg_ref[1]
        dis = jnp.where(deg > 0.0, lax.rsqrt(jnp.maximum(deg, 1.0)), 0.0)
        dis_ref[...] = dis
        hwp_ref[...] = jnp.zeros((_NPAD, _D), jnp.float32)
        hwp_ref[pl.ds(0, _N), :] = hw * dis[: _N]

    return pl.pallas_call(
        body,
        out_shape=(
            jax.ShapeDtypeStruct((_NPAD, _D), jnp.float32),
            jax.ShapeDtypeStruct((_NPAD, 1), jnp.float32),
        ),
    )(x, gamma, beta, W, degp)


def _sc_agg(hwp, srcf, dstc, zmat):
    gch = 2 * _CH
    spr = 64
    gpr = spr // 2
    nr0 = 4
    nr1 = 2 * _CPT // spr - nr0

    @functools.partial(
        pl.kernel,
        out_type=jax.ShapeDtypeStruct((_NC, _NPAD, _D), jnp.float32),
        mesh=_mesh(),
        scratch_types=[
            pltpu.VMEM_SHARED((_NPAD, _D), jnp.float32),
            pltpu.VMEM((spr * _CH,), jnp.int32),
            pltpu.VMEM((spr, _CH), jnp.int32),
            pltpu.VMEM((2, gch, _D), jnp.float32),
            pltpu.SemaphoreType.DMA,
            pltpu.SemaphoreType.DMA,
        ],
    )
    def k(hwp_hbm, src_hbm, dst_hbm, z_hbm, out_hbm,
          agg_sh, idxs_v, idxd_v, rows_v, sem0, sem1):
        c = lax.axis_index("c")
        s = lax.axis_index("s")
        pltpu.sync_copy(z_hbm, rows_v.at[0, pl.ds(0, _CH)])

        def zb(r, carry):
            pltpu.sync_copy(rows_v.at[0, pl.ds(0, _CH)],
                            agg_sh.at[pl.ds(s * _RPT + r * _CH, _CH)])
            return carry

        lax.fori_loop(0, _RPT // _CH, zb, 0)
        plsc.subcore_barrier()

        def gather(g, buf, sem):
            pltpu.async_copy(hwp_hbm.at[idxs_v.at[pl.ds(g * gch, gch)]],
                             rows_v.at[buf], sem)

        def wait_scatter(g, k2, buf, sem):
            pltpu.make_async_copy(
                hwp_hbm.at[idxs_v.at[pl.ds(g * gch, gch)]],
                rows_v.at[buf], sem).wait()
            pltpu.sync_copy(rows_v.at[buf, pl.ds(0, _CH)],
                            agg_sh.at[idxd_v.at[k2]], add=True)
            pltpu.sync_copy(rows_v.at[buf, pl.ds(_CH, _CH)],
                            agg_sh.at[idxd_v.at[k2 + 1]], add=True)

        base = s * (_NC * _CPT) + jnp.where(c == 1, nr0 * spr, 0)
        nrounds = jnp.where(c == 1, nr1, nr0)

        def round_body(r, carry):
            cb = base + r * spr
            pltpu.sync_copy(src_hbm.at[pl.ds(cb * _CH, spr * _CH)], idxs_v)
            pltpu.sync_copy(dst_hbm.at[pl.ds(cb, spr)], idxd_v)
            gather(0, 0, sem0)

            def body(jo, carry2):
                ga = jo * 2
                gb = ga + 1
                gather(gb, 1, sem1)
                wait_scatter(ga, ga * 2, 0, sem0)

                @pl.when(jo + 1 < gpr // 2)
                def _():
                    gather(ga + 2, 0, sem0)

                wait_scatter(gb, gb * 2, 1, sem1)
                return carry2

            lax.fori_loop(0, gpr // 2, body, 0)
            return carry

        lax.fori_loop(0, nrounds, round_body, 0)
        plsc.subcore_barrier()

        def ob(r, carry):
            off = s * _RPT + r * _CH
            pltpu.sync_copy(agg_sh.at[pl.ds(off, _CH)],
                            rows_v.at[0, pl.ds(0, _CH)])
            pltpu.sync_copy(rows_v.at[0, pl.ds(0, _CH)],
                            out_hbm.at[c, pl.ds(off, _CH)])
            return carry

        lax.fori_loop(0, _RPT // _CH, ob, 0)

    return k(hwp, srcf, dstc, zmat)


def _tc_combine(x, aggp, dis, b):
    def body(x_ref, agg_ref, dis_ref, b_ref, o_ref):
        a = agg_ref[0, pl.ds(0, _N), :] + agg_ref[1, pl.ds(0, _N), :]
        o_ref[...] = x_ref[...] + a * dis_ref[pl.ds(0, _N), :] + b_ref[...]

    return pl.pallas_call(
        body,
        out_shape=jax.ShapeDtypeStruct((_N, _D), jnp.float32),
    )(x, aggp, dis, b)


def kernel(x, edge_index, gamma, beta, W, b):
    src = edge_index[0]
    dst = edge_index[1]
    pad = jnp.full((_EPAD - _E,), _N, dtype=jnp.int32)
    srcc = jnp.concatenate([src, pad]).reshape(_NCHUNK, _CH)
    dstc = jnp.concatenate([dst, pad]).reshape(_NCHUNK, _CH)
    zvec = jnp.zeros((_RPT,), jnp.float32)
    zmat = jnp.zeros((_CH, _D), jnp.float32)
    ones = jnp.ones((_CPT * _CH,), jnp.float32)

    degp = _sc_degree(dstc.reshape(-1), zvec, ones)
    hwp, dis = _tc_prep(x, gamma.reshape(1, _D), beta.reshape(1, _D), W,
                        degp.reshape(_NC, _NPAD, 1))
    aggp = _sc_agg(hwp, srcc.reshape(-1), dstc, zmat)
    return _tc_combine(x, aggp, dis, b.reshape(1, _D))

# --- scband reference (transcript-rebuilt; emitter-appended) ---
"""Pipeline reference for scband-res-gnnlayer-43800076485030 (READ-ONLY COPY).

The authoritative reference and input builder live on the scoring server;
editing this copy changes nothing except your own understanding.
"""

import jax, jax.numpy as jnp
import numpy as np

N = 10000
E = 320000
D = 128


def setup_inputs(seed: int = 0) -> dict:
    key = jax.random.key(seed)
    k1, k2, k3 = jax.random.split(key, 3)
    x = jax.random.normal(k1, (N, D), dtype=jnp.float32)
    edge_index = jax.random.randint(k2, (2, E), 0, N, dtype=jnp.int32)
    # Learned parameters:
    # BatchNorm affine params (n_channels=128)
    gamma = jnp.ones((D,), dtype=jnp.float32)
    beta = jnp.zeros((D,), dtype=jnp.float32)
    # GCN conv weight/bias (in_feat=out_feat=128)
    W = jax.random.normal(k3, (D, D), dtype=jnp.float32) * (1.0 / np.sqrt(D))
    b = jnp.zeros((D,), dtype=jnp.float32)
    return {"x": x, "edge_index": edge_index, "gamma": gamma, "beta": beta, "W": W, "b": b}


def gcn_conv(h, edge_index, W, b):
    # GCN convolution with symmetric normalization:
    # out = D^{-1/2} A D^{-1/2} h W + b
    src = edge_index[0]
    dst = edge_index[1]
    deg = jnp.zeros((N,), dtype=h.dtype).at[dst].add(1.0)
    deg_inv_sqrt = jnp.where(deg > 0, jax.lax.rsqrt(jnp.maximum(deg, 1.0)), 0.0)
    coef = deg_inv_sqrt[src] * deg_inv_sqrt[dst]
    msgs = jnp.take(h, src, axis=0) * coef[:, None]  # gather
    agg = jnp.zeros_like(h).at[dst].add(msgs)        # scatter-add
    return agg @ W + b


def reference(x, edge_index, gamma, beta, W, b):
    # connection == 'res+': h = norm(x); h = act(h); h = dropout(h); h = conv(graph, h); return x + h
    # BatchNorm1d over node dimension (batch statistics, affine)
    mean = jnp.mean(x, axis=0)
    var = jnp.var(x, axis=0)
    h = (x - mean) * jax.lax.rsqrt(var + 1e-5) * gamma + beta
    # activation = relu
    h = jax.nn.relu(h)
    # dropout p=0.0 -> identity
    h = gcn_conv(h, edge_index, W, b)
    return x + h

if __name__ == "__main__":
    import jax
    _d = setup_inputs()
    print(jax.jit(kernel)(*tuple(_d.values())))

</pallas_src>

<mosaic_0001>
#map = affine_map<(d0, d1) -> (0, 0)>
#map1 = affine_map<(d0, d1) -> (0)>
#map2 = affine_map<(d0, d1) -> (0, 0, 0)>
module attributes {stable_mosaic.version = 14 : i64} {
  func.func @k(%arg0: i32, %arg1: i32, %arg2: memref<10240x128xf32, #tpu.memory_space<hbm>>, %arg3: memref<327680xi32, #tpu.memory_space<hbm>>, %arg4: memref<5120x64xi32, #tpu.memory_space<hbm>>, %arg5: memref<64x128xf32, #tpu.memory_space<hbm>>, %arg6: memref<2x10240x128xf32, #tpu.memory_space<hbm>>, %arg7: memref<10240x128xf32, #tpu.memory_space<vmem_shared>>, %arg8: memref<4096xi32, #tpu.memory_space<vmem>>, %arg9: memref<64x64xi32, #tpu.memory_space<vmem>>, %arg10: memref<2x128x128xf32, #tpu.memory_space<vmem>>, %arg11: memref<!tpu.dma_semaphore, #tpu.memory_space<semaphore_mem>>, %arg12: memref<!tpu.dma_semaphore, #tpu.memory_space<semaphore_mem>>) attributes {dimension_semantics = [#tpu.dimension_semantics<core_parallel>, #tpu.dimension_semantics<subcore_parallel>], iteration_bounds = array<i64: 2, 16>, scalar_prefetch = 0 : i64, scratch_operands = 6 : i64, tpu.core_type = #tpu.core_type<sc_vector_subcore>, window_params = [{transform_indices = #map}, {transform_indices = #map1}, {transform_indices = #map}, {transform_indices = #map}, {transform_indices = #map2}]} {
    %run_scoped3A = arith.constant 0 : i32
    "tpu.region"() ({
      %run_scoped3A_29 = tpu.sem_alloc : memref<!tpu.dma_semaphore, #tpu.memory_space<semaphore_mem>>
      %dma_start3A = arith.constant 0 : i32
      %dma_start3A_30 = arith.constant 0 : i32
      %dma_start3A_31 = tpu.memref_slice %arg10[%run_scoped3A, %dma_start3A, %dma_start3A_30] : memref<2x128x128xf32, #tpu.memory_space<vmem>> -> memref<1x64x128xf32, #tpu.memory_space<vmem>>
      %dma_start3A_32 = tpu.memref_squeeze %dma_start3A_31 : memref<1x64x128xf32, #tpu.memory_space<vmem>> -> memref<64x128xf32, #tpu.memory_space<vmem>>
      %dma_start3A_33 = arith.constant 0 : i32
      %dma_start3A_34 = arith.constant 0 : i32
      %dma_start3A_35 = tpu.memref_slice %arg10[%run_scoped3A, %dma_start3A_33, %dma_start3A_34] : memref<2x128x128xf32, #tpu.memory_space<vmem>> -> memref<1x64x128xf32, #tpu.memory_space<vmem>>
      %dma_start3A_36 = tpu.memref_squeeze %dma_start3A_35 : memref<1x64x128xf32, #tpu.memory_space<vmem>> -> memref<64x128xf32, #tpu.memory_space<vmem>>
      tpu.enqueue_dma source(%arg5 : memref<64x128xf32, #tpu.memory_space<hbm>>) target(%dma_start3A_36 : memref<64x128xf32, #tpu.memory_space<vmem>>) target_semaphore(%run_scoped3A_29 : memref<!tpu.dma_semaphore, #tpu.memory_space<semaphore_mem>>)
      %dma_wait3A = arith.constant 0 : i32
      %dma_wait3A_37 = arith.constant 0 : i32
      %dma_wait3A_38 = tpu.memref_slice %arg10[%run_scoped3A, %dma_wait3A, %dma_wait3A_37] : memref<2x128x128xf32, #tpu.memory_space<vmem>> -> memref<1x64x128xf32, #tpu.memory_space<vmem>>
      %dma_wait3A_39 = tpu.memref_squeeze %dma_wait3A_38 : memref<1x64x128xf32, #tpu.memory_space<vmem>> -> memref<64x128xf32, #tpu.memory_space<vmem>>
      %dma_wait3A_40 = arith.constant 0 : i32
      %dma_wait3A_41 = arith.constant 0 : i32
      %dma_wait3A_42 = tpu.memref_slice %arg10[%run_scoped3A, %dma_wait3A_40, %dma_wait3A_41] : memref<2x128x128xf32, #tpu.memory_space<vmem>> -> memref<1x64x128xf32, #tpu.memory_space<vmem>>
      %dma_wait3A_43 = tpu.memref_squeeze %dma_wait3A_42 : memref<1x64x128xf32, #tpu.memory_space<vmem>> -> memref<64x128xf32, #tpu.memory_space<vmem>>
      tpu.wait_dma2 semaphore(%run_scoped3A_29 : memref<!tpu.dma_semaphore, #tpu.memory_space<semaphore_mem>>) src(%arg5 : memref<64x128xf32, #tpu.memory_space<hbm>>) dst(%dma_wait3A_43 : memref<64x128xf32, #tpu.memory_space<vmem>>)
      tpu.yield
    }) : () -> ()
    %scan3A = arith.constant 0 : i32
    %scan3A_0 = arith.constant 0 : i32
    %scan3A_1 = arith.constant 10 : i32
    %scan3A_2 = arith.addi %scan3A_0, %scan3A_1 : i32
    %scan3A_3 = arith.constant 1 : i32
    scf.for %scan3A_29 = %scan3A_0 to %scan3A_2 step %scan3A_3  : i32 {
      %mul3A_30 = arith.constant 640 : i32
      %mul3A_31 = arith.muli %arg1, %mul3A_30 : i32
      %mul3A_32 = arith.constant 64 : i32
      %mul3A_33 = arith.muli %scan3A_29, %mul3A_32 : i32
      %add3A_34 = arith.addi %mul3A_31, %mul3A_33 : i32
      %run_scoped3A_35 = arith.constant 0 : i32
      "tpu.region"() ({
        %run_scoped3A_36 = tpu.sem_alloc : memref<!tpu.dma_semaphore, #tpu.memory_space<semaphore_mem>>
        %dma_start3A = arith.constant 0 : i32
        %dma_start3A_37 = arith.constant 0 : i32
        %dma_start3A_38 = tpu.memref_slice %arg10[%run_scoped3A_35, %dma_start3A, %dma_start3A_37] : memref<2x128x128xf32, #tpu.memory_space<vmem>> -> memref<1x64x128xf32, #tpu.memory_space<vmem>>
        %dma_start3A_39 = tpu.memref_squeeze %dma_start3A_38 : memref<1x64x128xf32, #tpu.memory_space<vmem>> -> memref<64x128xf32, #tpu.memory_space<vmem>>
        %dma_start3A_40 = arith.constant 0 : i32
        %dma_start3A_41 = tpu.memref_slice %arg7[%add3A_34, %dma_start3A_40] : memref<10240x128xf32, #tpu.memory_space<vmem_shared>> -> memref<64x128xf32, #tpu.memory_space<vmem_shared>>
        %dma_start3A_42 = arith.constant 0 : i32
        %dma_start3A_43 = tpu.memref_slice %arg7[%add3A_34, %dma_start3A_42] : memref<10240x128xf32, #tpu.memory_space<vmem_shared>> -> memref<64x128xf32, #tpu.memory_space<vmem_shared>>
        %dma_start3A_44 = arith.constant 0 : i32
        %dma_start3A_45 = arith.constant 0 : i32
        %dma_start3A_46 = tpu.memref_slice %arg10[%run_scoped3A_35, %dma_start3A_44, %dma_start3A_45] : memref<2x128x128xf32, #tpu.memory_space<vmem>> -> memref<1x64x128xf32, #tpu.memory_space<vmem>>
        %dma_start3A_47 = tpu.memref_squeeze %dma_start3A_46 : memref<1x64x128xf32, #tpu.memory_space<vmem>> -> memref<64x128xf32, #tpu.memory_space<vmem>>
        tpu.enqueue_dma source(%dma_start3A_47 : memref<64x128xf32, #tpu.memory_space<vmem>>) target(%dma_start3A_43 : memref<64x128xf32, #tpu.memory_space<vmem_shared>>) target_semaphore(%run_scoped3A_36 : memref<!tpu.dma_semaphore, #tpu.memory_space<semaphore_mem>>)
        %dma_wait3A = arith.constant 0 : i32
        %dma_wait3A_48 = arith.constant 0 : i32
        %dma_wait3A_49 = tpu.memref_slice %arg10[%run_scoped3A_35, %dma_wait3A, %dma_wait3A_48] : memref<2x128x128xf32, #tpu.memory_space<vmem>> -> memref<1x64x128xf32, #tpu.memory_space<vmem>>
        %dma_wait3A_50 = tpu.memref_squeeze %dma_wait3A_49 : memref<1x64x128xf32, #tpu.memory_space<vmem>> -> memref<64x128xf32, #tpu.memory_space<vmem>>
        %dma_wait3A_51 = arith.constant 0 : i32
        %dma_wait3A_52 = tpu.memref_slice %arg7[%add3A_34, %dma_wait3A_51] : memref<10240x128xf32, #tpu.memory_space<vmem_shared>> -> memref<64x128xf32, #tpu.memory_space<vmem_shared>>
        %dma_wait3A_53 = arith.constant 0 : i32
        %dma_wait3A_54 = tpu.memref_slice %arg7[%add3A_34, %dma_wait3A_53] : memref<10240x128xf32, #tpu.memory_space<vmem_shared>> -> memref<64x128xf32, #tpu.memory_space<vmem_shared>>
        %dma_wait3A_55 = arith.constant 0 : i32
        %dma_wait3A_56 = arith.constant 0 : i32
        %dma_wait3A_57 = tpu.memref_slice %arg10[%run_scoped3A_35, %dma_wait3A_55, %dma_wait3A_56] : memref<2x128x128xf32, #tpu.memory_space<vmem>> -> memref<1x64x128xf32, #tpu.memory_space<vmem>>
        %dma_wait3A_58 = tpu.memref_squeeze %dma_wait3A_57 : memref<1x64x128xf32, #tpu.memory_space<vmem>> -> memref<64x128xf32, #tpu.memory_space<vmem>>
        tpu.wait_dma2 semaphore(%run_scoped3A_36 : memref<!tpu.dma_semaphore, #tpu.memory_space<semaphore_mem>>) src(%dma_wait3A_58 : memref<64x128xf32, #tpu.memory_space<vmem>>) dst(%dma_wait3A_54 : memref<64x128xf32, #tpu.memory_space<vmem_shared>>)
        tpu.yield
      }) : () -> ()
    }
    %scan3A_4 = arith.constant 10 : i32
    %barrier3A = arith.constant 0 : index
    tpu.barrier barrier_id(%barrier3A)
    %mul3A = arith.constant 320 : i32
    %mul3A_5 = arith.muli %arg1, %mul3A : i32
    %eq3A = arith.constant 1 : i32
    %eq3A_6 = arith.cmpi eq, %arg0, %eq3A : i32
    %jit3A = arith.constant 256 : i32
    %jit3A_7 = arith.constant 0 : i32
    %select_n3A = arith.select %eq3A_6, %jit3A, %jit3A_7 : i32
    %add3A = arith.addi %mul3A_5, %select_n3A : i32
    %eq3A_8 = arith.constant 1 : i32
    %eq3A_9 = arith.cmpi eq, %arg0, %eq3A_8 : i32
    %jit3A_10 = arith.constant 1 : i32
    %jit3A_11 = arith.constant 4 : i32
    %select_n3A_12 = arith.select %eq3A_9, %jit3A_10, %jit3A_11 : i32
    %while3A = arith.constant 0 : i32
    %while3A_13 = arith.constant 0 : i32
    %while3A_14 = arith.subi %select_n3A_12, %while3A_13 : i32
    %while3A_15 = arith.addi %while3A_13, %while3A_14 : i32
    %while3A_16 = arith.constant 1 : i32
    %while3A_17 = arith.divsi %while3A_14, %while3A_16 : i32
    %while3A_18 = arith.muli %while3A_17, %while3A_16 : i32
    %while3A_19 = arith.addi %while3A_13, %while3A_18 : i32
    %while3A_20 = arith.constant 1 : i32
    scf.for %while3A_29 = %while3A_13 to %while3A_19 step %while3A_20  : i32 {
      %mul3A_30 = arith.constant 64 : i32
      %mul3A_31 = arith.muli %while3A_29, %mul3A_30 : i32
      %add3A_32 = arith.addi %add3A, %mul3A_31 : i32
      %mul3A_33 = arith.constant 64 : i32
      %mul3A_34 = arith.muli %add3A_32, %mul3A_33 : i32
      "tpu.region"() ({
        %run_scoped3A_50 = tpu.sem_alloc : memref<!tpu.dma_semaphore, #tpu.memory_space<semaphore_mem>>
        %dma_start3A_51 = tpu.memref_slice %arg3[%mul3A_34] : memref<327680xi32, #tpu.memory_space<hbm>> -> memref<4096xi32, #tpu.memory_space<hbm>>
        %dma_start3A_52 = tpu.memref_slice %arg3[%mul3A_34] : memref<327680xi32, #tpu.memory_space<hbm>> -> memref<4096xi32, #tpu.memory_space<hbm>>
        tpu.enqueue_dma source(%dma_start3A_52 : memref<4096xi32, #tpu.memory_space<hbm>>) target(%arg8 : memref<4096xi32, #tpu.memory_space<vmem>>) target_semaphore(%run_scoped3A_50 : memref<!tpu.dma_semaphore, #tpu.memory_space<semaphore_mem>>)
        %dma_wait3A = tpu.memref_slice %arg3[%mul3A_34] : memref<327680xi32, #tpu.memory_space<hbm>> -> memref<4096xi32, #tpu.memory_space<hbm>>
        %dma_wait3A_53 = tpu.memref_slice %arg3[%mul3A_34] : memref<327680xi32, #tpu.memory_space<hbm>> -> memref<4096xi32, #tpu.memory_space<hbm>>
        tpu.wait_dma2 semaphore(%run_scoped3A_50 : memref<!tpu.dma_semaphore, #tpu.memory_space<semaphore_mem>>) src(%dma_wait3A_53 : memref<4096xi32, #tpu.memory_space<hbm>>) dst(%arg8 : memref<4096xi32, #tpu.memory_space<vmem>>)
        tpu.yield
      }) : () -> ()
      "tpu.region"() ({
        %run_scoped3A_50 = tpu.sem_alloc : memref<!tpu.dma_semaphore, #tpu.memory_space<semaphore_mem>>
        %dma_start3A_51 = arith.constant 0 : i32
        %dma_start3A_52 = tpu.memref_slice %arg4[%add3A_32, %dma_start3A_51] : memref<5120x64xi32, #tpu.memory_space<hbm>> -> memref<64x64xi32, #tpu.memory_space<hbm>>
        %dma_start3A_53 = arith.constant 0 : i32
        %dma_start3A_54 = tpu.memref_slice %arg4[%add3A_32, %dma_start3A_53] : memref<5120x64xi32, #tpu.memory_space<hbm>> -> memref<64x64xi32, #tpu.memory_space<hbm>>
        tpu.enqueue_dma source(%dma_start3A_54 : memref<64x64xi32, #tpu.memory_space<hbm>>) target(%arg9 : memref<64x64xi32, #tpu.memory_space<vmem>>) target_semaphore(%run_scoped3A_50 : memref<!tpu.dma_semaphore, #tpu.memory_space<semaphore_mem>>)
        %dma_wait3A = arith.constant 0 : i32
        %dma_wait3A_55 = tpu.memref_slice %arg4[%add3A_32, %dma_wait3A] : memref<5120x64xi32, #tpu.memory_space<hbm>> -> memref<64x64xi32, #tpu.memory_space<hbm>>
        %dma_wait3A_56 = arith.constant 0 : i32
        %dma_wait3A_57 = tpu.memref_slice %arg4[%add3A_32, %dma_wait3A_56] : memref<5120x64xi32, #tpu.memory_space<hbm>> -> memref<64x64xi32, #tpu.memory_space<hbm>>
        tpu.wait_dma2 semaphore(%run_scoped3A_50 : memref<!tpu.dma_semaphore, #tpu.memory_space<semaphore_mem>>) src(%dma_wait3A_57 : memref<64x64xi32, #tpu.memory_space<hbm>>) dst(%arg9 : memref<64x64xi32, #tpu.memory_space<vmem>>)
        tpu.yield
      }) : () -> ()
      %dma_start3A = arith.constant 0 : i32
      %dma_start3A_35 = arith.constant 0 : i32
      %dma_start3A_36 = arith.constant 0 : i32
      %dma_start3A_37 = tpu.memref_slice %arg10[%dma_start3A, %dma_start3A_35, %dma_start3A_36] : memref<2x128x128xf32, #tpu.memory_space<vmem>> -> memref<1x128x128xf32, #tpu.memory_space<vmem>>
      %dma_start3A_38 = tpu.memref_squeeze %dma_start3A_37 : memref<1x128x128xf32, #tpu.memory_space<vmem>> -> memref<128x128xf32, #tpu.memory_space<vmem>>
      %dma_start3A_39 = arith.constant 0 : i32
      %dma_start3A_40 = tpu.memref_slice %arg8[%dma_start3A_39] : memref<4096xi32, #tpu.memory_space<vmem>> -> memref<128xi32, #tpu.memory_space<vmem>>
      %dma_start3A_41 = arith.constant 0 : i32
      %dma_start3A_42 = arith.constant 0 : i32
      %dma_start3A_43 = tpu.memref_slice %arg2[%dma_start3A_41, %dma_start3A_42] : memref<10240x128xf32, #tpu.memory_space<hbm>> -> memref<10240x128xf32, #tpu.memory_space<hbm>>
      tpu.enqueue_indirect_dma source(%dma_start3A_43 : memref<10240x128xf32, #tpu.memory_space<hbm>>) target(%dma_start3A_38 : memref<128x128xf32, #tpu.memory_space<vmem>>) offsets(%dma_start3A_40 : memref<128xi32, #tpu.memory_space<vmem>>) semaphore(%arg11 : memref<!tpu.dma_semaphore, #tpu.memory_space<semaphore_mem>>)
      %scan3A_44 = arith.constant 0 : i32
      %scan3A_45 = arith.constant 0 : i32
      %scan3A_46 = arith.constant 16 : i32
      %scan3A_47 = arith.addi %scan3A_45, %scan3A_46 : i32
      %scan3A_48 = arith.constant 1 : i32
      scf.for %scan3A_50 = %scan3A_45 to %scan3A_47 step %scan3A_48  : i32 {
        %mul3A_51 = arith.constant 2 : i32
        %mul3A_52 = arith.muli %scan3A_50, %mul3A_51 : i32
        %add3A_53 = arith.constant 1 : i32
        %add3A_54 = arith.addi %mul3A_52, %add3A_53 : i32
        %mul3A_55 = arith.constant 128 : i32
        %mul3A_56 = arith.muli %add3A_54, %mul3A_55 : i32
        %dma_start3A_57 = arith.constant 1 : i32
        %dma_start3A_58 = arith.constant 0 : i32
        %dma_start3A_59 = arith.constant 0 : i32
        %dma_start3A_60 = tpu.memref_slice %arg10[%dma_start3A_57, %dma_start3A_58, %dma_start3A_59] : memref<2x128x128xf32, #tpu.memory_space<vmem>> -> memref<1x128x128xf32, #tpu.memory_space<vmem>>
        %dma_start3A_61 = tpu.memref_squeeze %dma_start3A_60 : memref<1x128x128xf32, #tpu.memory_space<vmem>> -> memref<128x128xf32, #tpu.memory_space<vmem>>
        %dma_start3A_62 = tpu.memref_slice %arg8[%mul3A_56] : memref<4096xi32, #tpu.memory_space<vmem>> -> memref<128xi32, #tpu.memory_space<vmem>>
        %dma_start3A_63 = arith.constant 0 : i32
        %dma_start3A_64 = arith.constant 0 : i32
        %dma_start3A_65 = tpu.memref_slice %arg2[%dma_start3A_63, %dma_start3A_64] : memref<10240x128xf32, #tpu.memory_space<hbm>> -> memref<10240x128xf32, #tpu.memory_space<hbm>>
        tpu.enqueue_indirect_dma source(%dma_start3A_65 : memref<10240x128xf32, #tpu.memory_space<hbm>>) target(%dma_start3A_61 : memref<128x128xf32, #tpu.memory_space<vmem>>) offsets(%dma_start3A_62 : memref<128xi32, #tpu.memory_space<vmem>>) semaphore(%arg12 : memref<!tpu.dma_semaphore, #tpu.memory_space<semaphore_mem>>)
        %mul3A_66 = arith.constant 2 : i32
        %mul3A_67 = arith.muli %mul3A_52, %mul3A_66 : i32
        %mul3A_68 = arith.constant 128 : i32
        %mul3A_69 = arith.muli %mul3A_52, %mul3A_68 : i32
        %dma_wait3A = arith.constant 0 : i32
        %dma_wait3A_70 = arith.constant 0 : i32
        %dma_wait3A_71 = arith.constant 0 : i32
        %dma_wait3A_72 = tpu.memref_slice %arg10[%dma_wait3A, %dma_wait3A_70, %dma_wait3A_71] : memref<2x128x128xf32, #tpu.memory_space<vmem>> -> memref<1x128x128xf32, #tpu.memory_space<vmem>>
        %dma_wait3A_73 = tpu.memref_squeeze %dma_wait3A_72 : memref<1x128x128xf32, #tpu.memory_space<vmem>> -> memref<128x128xf32, #tpu.memory_space<vmem>>
        %dma_wait3A_74 = tpu.memref_slice %arg8[%mul3A_69] : memref<4096xi32, #tpu.memory_space<vmem>> -> memref<128xi32, #tpu.memory_space<vmem>>
        %dma_wait3A_75 = arith.constant 0 : i32
        %dma_wait3A_76 = arith.constant 0 : i32
        %dma_wait3A_77 = tpu.memref_slice %arg2[%dma_wait3A_75, %dma_wait3A_76] : memref<10240x128xf32, #tpu.memory_space<hbm>> -> memref<10240x128xf32, #tpu.memory_space<hbm>>
        tpu.wait_indirect_dma semaphore(%arg11 : memref<!tpu.dma_semaphore, #tpu.memory_space<semaphore_mem>>) src(%dma_wait3A_77 : memref<10240x128xf32, #tpu.memory_space<hbm>>) dst(%dma_wait3A_73 : memref<128x128xf32, #tpu.memory_space<vmem>>)
        %run_scoped3A_78 = arith.constant 0 : i32
        "tpu.region"() ({
          %run_scoped3A_103 = tpu.sem_alloc : memref<!tpu.dma_semaphore, #tpu.memory_space<semaphore_mem>>
          %dma_start3A_104 = arith.constant 0 : i32
          %dma_start3A_105 = arith.constant 0 : i32
          %dma_start3A_106 = tpu.memref_slice %arg10[%run_scoped3A_78, %dma_start3A_104, %dma_start3A_105] : memref<2x128x128xf32, #tpu.memory_space<vmem>> -> memref<1x64x128xf32, #tpu.memory_space<vmem>>
          %dma_start3A_107 = tpu.memref_squeeze %dma_start3A_106 : memref<1x64x128xf32, #tpu.memory_space<vmem>> -> memref<64x128xf32, #tpu.memory_space<vmem>>
          %dma_start3A_108 = arith.constant 0 : i32
          %dma_start3A_109 = tpu.memref_slice %arg9[%mul3A_67, %dma_start3A_108] : memref<64x64xi32, #tpu.memory_space<vmem>> -> memref<1x64xi32, #tpu.memory_space<vmem>>
          %dma_start3A_110 = tpu.memref_squeeze %dma_start3A_109 : memref<1x64xi32, #tpu.memory_space<vmem>> -> memref<64xi32, #tpu.memory_space<vmem>>
          %dma_start3A_111 = arith.constant 0 : i32
          %dma_start3A_112 = arith.constant 0 : i32
          %dma_start3A_113 = tpu.memref_slice %arg7[%dma_start3A_111, %dma_start3A_112] : memref<10240x128xf32, #tpu.memory_space<vmem_shared>> -> memref<10240x128xf32, #tpu.memory_space<vmem_shared>>
          tpu.enqueue_indirect_dma source(%dma_start3A_107 : memref<64x128xf32, #tpu.memory_space<vmem>>) target(%dma_start3A_113 : memref<10240x128xf32, #tpu.memory_space<vmem_shared>>) offsets(%dma_start3A_110 : memref<64xi32, #tpu.memory_space<vmem>>) semaphore(%run_scoped3A_103 : memref<!tpu.dma_semaphore, #tpu.memory_space<semaphore_mem>>) {add = true}
          %dma_wait3A_114 = arith.constant 0 : i32
          %dma_wait3A_115 = arith.constant 0 : i32
          %dma_wait3A_116 = tpu.memref_slice %arg10[%run_scoped3A_78, %dma_wait3A_114, %dma_wait3A_115] : memref<2x128x128xf32, #tpu.memory_space<vmem>> -> memref<1x64x128xf32, #tpu.memory_space<vmem>>
          %dma_wait3A_117 = tpu.memref_squeeze %dma_wait3A_116 : memref<1x64x128xf32, #tpu.memory_space<vmem>> -> memref<64x128xf32, #tpu.memory_space<vmem>>
          %dma_wait3A_118 = arith.constant 0 : i32
          %dma_wait3A_119 = tpu.memref_slice %arg9[%mul3A_67, %dma_wait3A_118] : memref<64x64xi32, #tpu.memory_space<vmem>> -> memref<1x64xi32, #tpu.memory_space<vmem>>
          %dma_wait3A_120 = tpu.memref_squeeze %dma_wait3A_119 : memref<1x64xi32, #tpu.memory_space<vmem>> -> memref<64xi32, #tpu.memory_space<vmem>>
          %dma_wait3A_121 = arith.constant 0 : i32
          %dma_wait3A_122 = arith.constant 0 : i32
          %dma_wait3A_123 = tpu.memref_slice %arg7[%dma_wait3A_121, %dma_wait3A_122] : memref<10240x128xf32, #tpu.memory_space<vmem_shared>> -> memref<10240x128xf32, #tpu.memory_space<vmem_shared>>
          tpu.wait_indirect_dma semaphore(%run_scoped3A_103 : memref<!tpu.dma_semaphore, #tpu.memory_space<semaphore_mem>>) src(%dma_wait3A_117 : memref<64x128xf32, #tpu.memory_space<vmem>>) dst(%dma_wait3A_123 : memref<10240x128xf32, #tpu.memory_space<vmem_shared>>)
          tpu.yield
        }) : () -> ()
        %add3A_79 = arith.constant 1 : i32
        %add3A_80 = arith.addi %mul3A_67, %add3A_79 : i32
        %run_scoped3A_81 = arith.constant 0 : i32
        "tpu.region"() ({
          %run_scoped3A_103 = tpu.sem_alloc : memref<!tpu.dma_semaphore, #tpu.memory_space<semaphore_mem>>
          %dma_start3A_104 = arith.constant 64 : i32
          %dma_start3A_105 = arith.constant 0 : i32
          %dma_start3A_106 = tpu.memref_slice %arg10[%run_scoped3A_81, %dma_start3A_104, %dma_start3A_105] : memref<2x128x128xf32, #tpu.memory_space<vmem>> -> memref<1x64x128xf32, #tpu.memory_space<vmem>>
          %dma_start3A_107 = tpu.memref_squeeze %dma_start3A_106 : memref<1x64x128xf32, #tpu.memory_space<vmem>> -> memref<64x128xf32, #tpu.memory_space<vmem>>
          %dma_start3A_108 = arith.constant 0 : i32
          %dma_start3A_109 = tpu.memref_slice %arg9[%add3A_80, %dma_start3A_108] : memref<64x64xi32, #tpu.memory_space<vmem>> -> memref<1x64xi32, #tpu.memory_space<vmem>>
          %dma_start3A_110 = tpu.memref_squeeze %dma_start3A_109 : memref<1x64xi32, #tpu.memory_space<vmem>> -> memref<64xi32, #tpu.memory_space<vmem>>
          %dma_start3A_111 = arith.constant 0 : i32
          %dma_start3A_112 = arith.constant 0 : i32
          %dma_start3A_113 = tpu.memref_slice %arg7[%dma_start3A_111, %dma_start3A_112] : memref<10240x128xf32, #tpu.memory_space<vmem_shared>> -> memref<10240x128xf32, #tpu.memory_space<vmem_shared>>
          tpu.enqueue_indirect_dma source(%dma_start3A_107 : memref<64x128xf32, #tpu.memory_space<vmem>>) target(%dma_start3A_113 : memref<10240x128xf32, #tpu.memory_space<vmem_shared>>) offsets(%dma_start3A_110 : memref<64xi32, #tpu.memory_space<vmem>>) semaphore(%run_scoped3A_103 : memref<!tpu.dma_semaphore, #tpu.memory_space<semaphore_mem>>) {add = true}
          %dma_wait3A_114 = arith.constant 64 : i32
          %dma_wait3A_115 = arith.constant 0 : i32
          %dma_wait3A_116 = tpu.memref_slice %arg10[%run_scoped3A_81, %dma_wait3A_114, %dma_wait3A_115] : memref<2x128x128xf32, #tpu.memory_space<vmem>> -> memref<1x64x128xf32, #tpu.memory_space<vmem>>
          %dma_wait3A_117 = tpu.memref_squeeze %dma_wait3A_116 : memref<1x64x128xf32, #tpu.memory_space<vmem>> -> memref<64x128xf32, #tpu.memory_space<vmem>>
          %dma_wait3A_118 = arith.constant 0 : i32
          %dma_wait3A_119 = tpu.memref_slice %arg9[%add3A_80, %dma_wait3A_118] : memref<64x64xi32, #tpu.memory_space<vmem>> -> memref<1x64xi32, #tpu.memory_space<vmem>>
          %dma_wait3A_120 = tpu.memref_squeeze %dma_wait3A_119 : memref<1x64xi32, #tpu.memory_space<vmem>> -> memref<64xi32, #tpu.memory_space<vmem>>
          %dma_wait3A_121 = arith.constant 0 : i32
          %dma_wait3A_122 = arith.constant 0 : i32
          %dma_wait3A_123 = tpu.memref_slice %arg7[%dma_wait3A_121, %dma_wait3A_122] : memref<10240x128xf32, #tpu.memory_space<vmem_shared>> -> memref<10240x128xf32, #tpu.memory_space<vmem_shared>>
          tpu.wait_indirect_dma semaphore(%run_scoped3A_103 : memref<!tpu.dma_semaphore, #tpu.memory_space<semaphore_mem>>) src(%dma_wait3A_117 : memref<64x128xf32, #tpu.memory_space<vmem>>) dst(%dma_wait3A_123 : memref<10240x128xf32, #tpu.memory_space<vmem_shared>>)
          tpu.yield
        }) : () -> ()
        %add3A_82 = arith.constant 1 : i32
        %add3A_83 = arith.addi %scan3A_50, %add3A_82 : i32
        %lt3A = arith.constant 16 : i32
        %lt3A_84 = arith.cmpi slt, %add3A_83, %lt3A : i32
        %convert_element_type3A = arith.extui %lt3A_84 : i1 to i32
        %cond3A = arith.constant 0 : i32
        %cond3A_85 = arith.cmpi ne, %convert_element_type3A, %cond3A : i32
        scf.if %cond3A_85 {
          %add3A_103 = arith.constant 2 : i32
          %add3A_104 = arith.addi %mul3A_52, %add3A_103 : i32
          %mul3A_105 = arith.constant 128 : i32
          %mul3A_106 = arith.muli %add3A_104, %mul3A_105 : i32
          %dma_start3A_107 = arith.constant 0 : i32
          %dma_start3A_108 = arith.constant 0 : i32
          %dma_start3A_109 = arith.constant 0 : i32
          %dma_start3A_110 = tpu.memref_slice %arg10[%dma_start3A_107, %dma_start3A_108, %dma_start3A_109] : memref<2x128x128xf32, #tpu.memory_space<vmem>> -> memref<1x128x128xf32, #tpu.memory_space<vmem>>
          %dma_start3A_111 = tpu.memref_squeeze %dma_start3A_110 : memref<1x128x128xf32, #tpu.memory_space<vmem>> -> memref<128x128xf32, #tpu.memory_space<vmem>>
          %dma_start3A_112 = tpu.memref_slice %arg8[%mul3A_106] : memref<4096xi32, #tpu.memory_space<vmem>> -> memref<128xi32, #tpu.memory_space<vmem>>
          %dma_start3A_113 = arith.constant 0 : i32
          %dma_start3A_114 = arith.constant 0 : i32
          %dma_start3A_115 = tpu.memref_slice %arg2[%dma_start3A_113, %dma_start3A_114] : memref<10240x128xf32, #tpu.memory_space<hbm>> -> memref<10240x128xf32, #tpu.memory_space<hbm>>
          tpu.enqueue_indirect_dma source(%dma_start3A_115 : memref<10240x128xf32, #tpu.memory_space<hbm>>) target(%dma_start3A_111 : memref<128x128xf32, #tpu.memory_space<vmem>>) offsets(%dma_start3A_112 : memref<128xi32, #tpu.memory_space<vmem>>) semaphore(%arg11 : memref<!tpu.dma_semaphore, #tpu.memory_space<semaphore_mem>>)
        } else {
        }
        %mul3A_86 = arith.constant 2 : i32
        %mul3A_87 = arith.muli %add3A_54, %mul3A_86 : i32
        %mul3A_88 = arith.constant 128 : i32
        %mul3A_89 = arith.muli %add3A_54, %mul3A_88 : i32
        %dma_wait3A_90 = arith.constant 1 : i32
        %dma_wait3A_91 = arith.constant 0 : i32
        %dma_wait3A_92 = arith.constant 0 : i32
        %dma_wait3A_93 = tpu.memref_slice %arg10[%dma_wait3A_90, %dma_wait3A_91, %dma_wait3A_92] : memref<2x128x128xf32, #tpu.memory_space<vmem>> -> memref<1x128x128xf32, #tpu.memory_space<vmem>>
        %dma_wait3A_94 = tpu.memref_squeeze %dma_wait3A_93 : memref<1x128x128xf32, #tpu.memory_space<vmem>> -> memref<128x128xf32, #tpu.memory_space<vmem>>
        %dma_wait3A_95 = tpu.memref_slice %arg8[%mul3A_89] : memref<4096xi32, #tpu.memory_space<vmem>> -> memref<128xi32, #tpu.memory_space<vmem>>
        %dma_wait3A_96 = arith.constant 0 : i32
        %dma_wait3A_97 = arith.constant 0 : i32
        %dma_wait3A_98 = tpu.memref_slice %arg2[%dma_wait3A_96, %dma_wait3A_97] : memref<10240x128xf32, #tpu.memory_space<hbm>> -> memref<10240x128xf32, #tpu.memory_space<hbm>>
        tpu.wait_indirect_dma semaphore(%arg12 : memref<!tpu.dma_semaphore, #tpu.memory_space<semaphore_mem>>) src(%dma_wait3A_98 : memref<10240x128xf32, #tpu.memory_space<hbm>>) dst(%dma_wait3A_94 : memref<128x128xf32, #tpu.memory_space<vmem>>)
        %run_scoped3A_99 = arith.constant 1 : i32
        "tpu.region"() ({
          %run_scoped3A_103 = tpu.sem_alloc : memref<!tpu.dma_semaphore, #tpu.memory_space<semaphore_mem>>
          %dma_start3A_104 = arith.constant 0 : i32
          %dma_start3A_105 = arith.constant 0 : i32
          %dma_start3A_106 = tpu.memref_slice %arg10[%run_scoped3A_99, %dma_start3A_104, %dma_start3A_105] : memref<2x128x128xf32, #tpu.memory_space<vmem>> -> memref<1x64x128xf32, #tpu.memory_space<vmem>>
          %dma_start3A_107 = tpu.memref_squeeze %dma_start3A_106 : memref<1x64x128xf32, #tpu.memory_space<vmem>> -> memref<64x128xf32, #tpu.memory_space<vmem>>
          %dma_start3A_108 = arith.constant 0 : i32
          %dma_start3A_109 = tpu.memref_slice %arg9[%mul3A_87, %dma_start3A_108] : memref<64x64xi32, #tpu.memory_space<vmem>> -> memref<1x64xi32, #tpu.memory_space<vmem>>
          %dma_start3A_110 = tpu.memref_squeeze %dma_start3A_109 : memref<1x64xi32, #tpu.memory_space<vmem>> -> memref<64xi32, #tpu.memory_space<vmem>>
          %dma_start3A_111 = arith.constant 0 : i32
          %dma_start3A_112 = arith.constant 0 : i32
          %dma_start3A_113 = tpu.memref_slice %arg7[%dma_start3A_111, %dma_start3A_112] : memref<10240x128xf32, #tpu.memory_space<vmem_shared>> -> memref<10240x128xf32, #tpu.memory_space<vmem_shared>>
          tpu.enqueue_indirect_dma source(%dma_start3A_107 : memref<64x128xf32, #tpu.memory_space<vmem>>) target(%dma_start3A_113 : memref<10240x128xf32, #tpu.memory_space<vmem_shared>>) offsets(%dma_start3A_110 : memref<64xi32, #tpu.memory_space<vmem>>) semaphore(%run_scoped3A_103 : memref<!tpu.dma_semaphore, #tpu.memory_space<semaphore_mem>>) {add = true}
          %dma_wait3A_114 = arith.constant 0 : i32
          %dma_wait3A_115 = arith.constant 0 : i32
          %dma_wait3A_116 = tpu.memref_slice %arg10[%run_scoped3A_99, %dma_wait3A_114, %dma_wait3A_115] : memref<2x128x128xf32, #tpu.memory_space<vmem>> -> memref<1x64x128xf32, #tpu.memory_space<vmem>>
          %dma_wait3A_117 = tpu.memref_squeeze %dma_wait3A_116 : memref<1x64x128xf32, #tpu.memory_space<vmem>> -> memref<64x128xf32, #tpu.memory_space<vmem>>
          %dma_wait3A_118 = arith.constant 0 : i32
          %dma_wait3A_119 = tpu.memref_slice %arg9[%mul3A_87, %dma_wait3A_118] : memref<64x64xi32, #tpu.memory_space<vmem>> -> memref<1x64xi32, #tpu.memory_space<vmem>>
          %dma_wait3A_120 = tpu.memref_squeeze %dma_wait3A_119 : memref<1x64xi32, #tpu.memory_space<vmem>> -> memref<64xi32, #tpu.memory_space<vmem>>
          %dma_wait3A_121 = arith.constant 0 : i32
          %dma_wait3A_122 = arith.constant 0 : i32
          %dma_wait3A_123 = tpu.memref_slice %arg7[%dma_wait3A_121, %dma_wait3A_122] : memref<10240x128xf32, #tpu.memory_space<vmem_shared>> -> memref<10240x128xf32, #tpu.memory_space<vmem_shared>>
          tpu.wait_indirect_dma semaphore(%run_scoped3A_103 : memref<!tpu.dma_semaphore, #tpu.memory_space<semaphore_mem>>) src(%dma_wait3A_117 : memref<64x128xf32, #tpu.memory_space<vmem>>) dst(%dma_wait3A_123 : memref<10240x128xf32, #tpu.memory_space<vmem_shared>>)
          tpu.yield
        }) : () -> ()
        %add3A_100 = arith.constant 1 : i32
        %add3A_101 = arith.addi %mul3A_87, %add3A_100 : i32
        %run_scoped3A_102 = arith.constant 1 : i32
        "tpu.region"() ({
          %run_scoped3A_103 = tpu.sem_alloc : memref<!tpu.dma_semaphore, #tpu.memory_space<semaphore_mem>>
          %dma_start3A_104 = arith.constant 64 : i32
          %dma_start3A_105 = arith.constant 0 : i32
          %dma_start3A_106 = tpu.memref_slice %arg10[%run_scoped3A_102, %dma_start3A_104, %dma_start3A_105] : memref<2x128x128xf32, #tpu.memory_space<vmem>> -> memref<1x64x128xf32, #tpu.memory_space<vmem>>
          %dma_start3A_107 = tpu.memref_squeeze %dma_start3A_106 : memref<1x64x128xf32, #tpu.memory_space<vmem>> -> memref<64x128xf32, #tpu.memory_space<vmem>>
          %dma_start3A_108 = arith.constant 0 : i32
          %dma_start3A_109 = tpu.memref_slice %arg9[%add3A_101, %dma_start3A_108] : memref<64x64xi32, #tpu.memory_space<vmem>> -> memref<1x64xi32, #tpu.memory_space<vmem>>
          %dma_start3A_110 = tpu.memref_squeeze %dma_start3A_109 : memref<1x64xi32, #tpu.memory_space<vmem>> -> memref<64xi32, #tpu.memory_space<vmem>>
          %dma_start3A_111 = arith.constant 0 : i32
          %dma_start3A_112 = arith.constant 0 : i32
          %dma_start3A_113 = tpu.memref_slice %arg7[%dma_start3A_111, %dma_start3A_112] : memref<10240x128xf32, #tpu.memory_space<vmem_shared>> -> memref<10240x128xf32, #tpu.memory_space<vmem_shared>>
          tpu.enqueue_indirect_dma source(%dma_start3A_107 : memref<64x128xf32, #tpu.memory_space<vmem>>) target(%dma_start3A_113 : memref<10240x128xf32, #tpu.memory_space<vmem_shared>>) offsets(%dma_start3A_110 : memref<64xi32, #tpu.memory_space<vmem>>) semaphore(%run_scoped3A_103 : memref<!tpu.dma_semaphore, #tpu.memory_space<semaphore_mem>>) {add = true}
          %dma_wait3A_114 = arith.constant 64 : i32
          %dma_wait3A_115 = arith.constant 0 : i32
          %dma_wait3A_116 = tpu.memref_slice %arg10[%run_scoped3A_102, %dma_wait3A_114, %dma_wait3A_115] : memref<2x128x128xf32, #tpu.memory_space<vmem>> -> memref<1x64x128xf32, #tpu.memory_space<vmem>>
          %dma_wait3A_117 = tpu.memref_squeeze %dma_wait3A_116 : memref<1x64x128xf32, #tpu.memory_space<vmem>> -> memref<64x128xf32, #tpu.memory_space<vmem>>
          %dma_wait3A_118 = arith.constant 0 : i32
          %dma_wait3A_119 = tpu.memref_slice %arg9[%add3A_101, %dma_wait3A_118] : memref<64x64xi32, #tpu.memory_space<vmem>> -> memref<1x64xi32, #tpu.memory_space<vmem>>
          %dma_wait3A_120 = tpu.memref_squeeze %dma_wait3A_119 : memref<1x64xi32, #tpu.memory_space<vmem>> -> memref<64xi32, #tpu.memory_space<vmem>>
          %dma_wait3A_121 = arith.constant 0 : i32
          %dma_wait3A_122 = arith.constant 0 : i32
          %dma_wait3A_123 = tpu.memref_slice %arg7[%dma_wait3A_121, %dma_wait3A_122] : memref<10240x128xf32, #tpu.memory_space<vmem_shared>> -> memref<10240x128xf32, #tpu.memory_space<vmem_shared>>
          tpu.wait_indirect_dma semaphore(%run_scoped3A_103 : memref<!tpu.dma_semaphore, #tpu.memory_space<semaphore_mem>>) src(%dma_wait3A_117 : memref<64x128xf32, #tpu.memory_space<vmem>>) dst(%dma_wait3A_123 : memref<10240x128xf32, #tpu.memory_space<vmem_shared>>)
          tpu.yield
        }) : () -> ()
      }
      %scan3A_49 = arith.constant 16 : i32
    }
    %while3A_21 = arith.constant 1 : i32
    scf.for %while3A_29 = %while3A_19 to %while3A_15 step %while3A_21  : i32 {
      %mul3A_30 = arith.constant 64 : i32
      %mul3A_31 = arith.muli %while3A_29, %mul3A_30 : i32
      %add3A_32 = arith.addi %add3A, %mul3A_31 : i32
      %mul3A_33 = arith.constant 64 : i32
      %mul3A_34 = arith.muli %add3A_32, %mul3A_33 : i32
      "tpu.region"() ({
        %run_scoped3A_50 = tpu.sem_alloc : memref<!tpu.dma_semaphore, #tpu.memory_space<semaphore_mem>>
        %dma_start3A_51 = tpu.memref_slice %arg3[%mul3A_34] : memref<327680xi32, #tpu.memory_space<hbm>> -> memref<4096xi32, #tpu.memory_space<hbm>>
        %dma_start3A_52 = tpu.memref_slice %arg3[%mul3A_34] : memref<327680xi32, #tpu.memory_space<hbm>> -> memref<4096xi32, #tpu.memory_space<hbm>>
        tpu.enqueue_dma source(%dma_start3A_52 : memref<4096xi32, #tpu.memory_space<hbm>>) target(%arg8 : memref<4096xi32, #tpu.memory_space<vmem>>) target_semaphore(%run_scoped3A_50 : memref<!tpu.dma_semaphore, #tpu.memory_space<semaphore_mem>>)
        %dma_wait3A = tpu.memref_slice %arg3[%mul3A_34] : memref<327680xi32, #tpu.memory_space<hbm>> -> memref<4096xi32, #tpu.memory_space<hbm>>
        %dma_wait3A_53 = tpu.memref_slice %arg3[%mul3A_34] : memref<327680xi32, #tpu.memory_space<hbm>> -> memref<4096xi32, #tpu.memory_space<hbm>>
        tpu.wait_dma2 semaphore(%run_scoped3A_50 : memref<!tpu.dma_semaphore, #tpu.memory_space<semaphore_mem>>) src(%dma_wait3A_53 : memref<4096xi32, #tpu.memory_space<hbm>>) dst(%arg8 : memref<4096xi32, #tpu.memory_space<vmem>>)
        tpu.yield
      }) : () -> ()
      "tpu.region"() ({
        %run_scoped3A_50 = tpu.sem_alloc : memref<!tpu.dma_semaphore, #tpu.memory_space<semaphore_mem>>
        %dma_start3A_51 = arith.constant 0 : i32
        %dma_start3A_52 = tpu.memref_slice %arg4[%add3A_32, %dma_start3A_51] : memref<5120x64xi32, #tpu.memory_space<hbm>> -> memref<64x64xi32, #tpu.memory_space<hbm>>
        %dma_start3A_53 = arith.constant 0 : i32
        %dma_start3A_54 = tpu.memref_slice %arg4[%add3A_32, %dma_start3A_53] : memref<5120x64xi32, #tpu.memory_space<hbm>> -> memref<64x64xi32, #tpu.memory_space<hbm>>
        tpu.enqueue_dma source(%dma_start3A_54 : memref<64x64xi32, #tpu.memory_space<hbm>>) target(%arg9 : memref<64x64xi32, #tpu.memory_space<vmem>>) target_semaphore(%run_scoped3A_50 : memref<!tpu.dma_semaphore, #tpu.memory_space<semaphore_mem>>)
        %dma_wait3A = arith.constant 0 : i32
        %dma_wait3A_55 = tpu.memref_slice %arg4[%add3A_32, %dma_wait3A] : memref<5120x64xi32, #tpu.memory_space<hbm>> -> memref<64x64xi32, #tpu.memory_space<hbm>>
        %dma_wait3A_56 = arith.constant 0 : i32
        %dma_wait3A_57 = tpu.memref_slice %arg4[%add3A_32, %dma_wait3A_56] : memref<5120x64xi32, #tpu.memory_space<hbm>> -> memref<64x64xi32, #tpu.memory_space<hbm>>
        tpu.wait_dma2 semaphore(%run_scoped3A_50 : memref<!tpu.dma_semaphore, #tpu.memory_space<semaphore_mem>>) src(%dma_wait3A_57 : memref<64x64xi32, #tpu.memory_space<hbm>>) dst(%arg9 : memref<64x64xi32, #tpu.memory_space<vmem>>)
        tpu.yield
      }) : () -> ()
      %dma_start3A = arith.constant 0 : i32
      %dma_start3A_35 = arith.constant 0 : i32
      %dma_start3A_36 = arith.constant 0 : i32
      %dma_start3A_37 = tpu.memref_slice %arg10[%dma_start3A, %dma_start3A_35, %dma_start3A_36] : memref<2x128x128xf32, #tpu.memory_space<vmem>> -> memref<1x128x128xf32, #tpu.memory_space<vmem>>
      %dma_start3A_38 = tpu.memref_squeeze %dma_start3A_37 : memref<1x128x128xf32, #tpu.memory_space<vmem>> -> memref<128x128xf32, #tpu.memory_space<vmem>>
      %dma_start3A_39 = arith.constant 0 : i32
      %dma_start3A_40 = tpu.memref_slice %arg8[%dma_start3A_39] : memref<4096xi32, #tpu.memory_space<vmem>> -> memref<128xi32, #tpu.memory_space<vmem>>
      %dma_start3A_41 = arith.constant 0 : i32
      %dma_start3A_42 = arith.constant 0 : i32
      %dma_start3A_43 = tpu.memref_slice %arg2[%dma_start3A_41, %dma_start3A_42] : memref<10240x128xf32, #tpu.memory_space<hbm>> -> memref<10240x128xf32, #tpu.memory_space<hbm>>
      tpu.enqueue_indirect_dma source(%dma_start3A_43 : memref<10240x128xf32, #tpu.memory_space<hbm>>) target(%dma_start3A_38 : memref<128x128xf32, #tpu.memory_space<vmem>>) offsets(%dma_start3A_40 : memref<128xi32, #tpu.memory_space<vmem>>) semaphore(%arg11 : memref<!tpu.dma_semaphore, #tpu.memory_space<semaphore_mem>>)
      %scan3A_44 = arith.constant 0 : i32
      %scan3A_45 = arith.constant 0 : i32
      %scan3A_46 = arith.constant 16 : i32
      %scan3A_47 = arith.addi %scan3A_45, %scan3A_46 : i32
      %scan3A_48 = arith.constant 1 : i32
      scf.for %scan3A_50 = %scan3A_45 to %scan3A_47 step %scan3A_48  : i32 {
        %mul3A_51 = arith.constant 2 : i32
        %mul3A_52 = arith.muli %scan3A_50, %mul3A_51 : i32
        %add3A_53 = arith.constant 1 : i32
        %add3A_54 = arith.addi %mul3A_52, %add3A_53 : i32
        %mul3A_55 = arith.constant 128 : i32
        %mul3A_56 = arith.muli %add3A_54, %mul3A_55 : i32
        %dma_start3A_57 = arith.constant 1 : i32
        %dma_start3A_58 = arith.constant 0 : i32
        %dma_start3A_59 = arith.constant 0 : i32
        %dma_start3A_60 = tpu.memref_slice %arg10[%dma_start3A_57, %dma_start3A_58, %dma_start3A_59] : memref<2x128x128xf32, #tpu.memory_space<vmem>> -> memref<1x128x128xf32, #tpu.memory_space<vmem>>
        %dma_start3A_61 = tpu.memref_squeeze %dma_start3A_60 : memref<1x128x128xf32, #tpu.memory_space<vmem>> -> memref<128x128xf32, #tpu.memory_space<vmem>>
        %dma_start3A_62 = tpu.memref_slice %arg8[%mul3A_56] : memref<4096xi32, #tpu.memory_space<vmem>> -> memref<128xi32, #tpu.memory_space<vmem>>
        %dma_start3A_63 = arith.constant 0 : i32
        %dma_start3A_64 = arith.constant 0 : i32
        %dma_start3A_65 = tpu.memref_slice %arg2[%dma_start3A_63, %dma_start3A_64] : memref<10240x128xf32, #tpu.memory_space<hbm>> -> memref<10240x128xf32, #tpu.memory_space<hbm>>
        tpu.enqueue_indirect_dma source(%dma_start3A_65 : memref<10240x128xf32, #tpu.memory_space<hbm>>) target(%dma_start3A_61 : memref<128x128xf32, #tpu.memory_space<vmem>>) offsets(%dma_start3A_62 : memref<128xi32, #tpu.memory_space<vmem>>) semaphore(%arg12 : memref<!tpu.dma_semaphore, #tpu.memory_space<semaphore_mem>>)
        %mul3A_66 = arith.constant 2 : i32
        %mul3A_67 = arith.muli %mul3A_52, %mul3A_66 : i32
        %mul3A_68 = arith.constant 128 : i32
        %mul3A_69 = arith.muli %mul3A_52, %mul3A_68 : i32
        %dma_wait3A = arith.constant 0 : i32
        %dma_wait3A_70 = arith.constant 0 : i32
        %dma_wait3A_71 = arith.constant 0 : i32
        %dma_wait3A_72 = tpu.memref_slice %arg10[%dma_wait3A, %dma_wait3A_70, %dma_wait3A_71] : memref<2x128x128xf32, #tpu.memory_space<vmem>> -> memref<1x128x128xf32, #tpu.memory_space<vmem>>
        %dma_wait3A_73 = tpu.memref_squeeze %dma_wait3A_72 : memref<1x128x128xf32, #tpu.memory_space<vmem>> -> memref<128x128xf32, #tpu.memory_space<vmem>>
        %dma_wait3A_74 = tpu.memref_slice %arg8[%mul3A_69] : memref<4096xi32, #tpu.memory_space<vmem>> -> memref<128xi32, #tpu.memory_space<vmem>>
        %dma_wait3A_75 = arith.constant 0 : i32
        %dma_wait3A_76 = arith.constant 0 : i32
        %dma_wait3A_77 = tpu.memref_slice %arg2[%dma_wait3A_75, %dma_wait3A_76] : memref<10240x128xf32, #tpu.memory_space<hbm>> -> memref<10240x128xf32, #tpu.memory_space<hbm>>
        tpu.wait_indirect_dma semaphore(%arg11 : memref<!tpu.dma_semaphore, #tpu.memory_space<semaphore_mem>>) src(%dma_wait3A_77 : memref<10240x128xf32, #tpu.memory_space<hbm>>) dst(%dma_wait3A_73 : memref<128x128xf32, #tpu.memory_space<vmem>>)
        %run_scoped3A_78 = arith.constant 0 : i32
        "tpu.region"() ({
          %run_scoped3A_103 = tpu.sem_alloc : memref<!tpu.dma_semaphore, #tpu.memory_space<semaphore_mem>>
          %dma_start3A_104 = arith.constant 0 : i32
          %dma_start3A_105 = arith.constant 0 : i32
          %dma_start3A_106 = tpu.memref_slice %arg10[%run_scoped3A_78, %dma_start3A_104, %dma_start3A_105] : memref<2x128x128xf32, #tpu.memory_space<vmem>> -> memref<1x64x128xf32, #tpu.memory_space<vmem>>
          %dma_start3A_107 = tpu.memref_squeeze %dma_start3A_106 : memref<1x64x128xf32, #tpu.memory_space<vmem>> -> memref<64x128xf32, #tpu.memory_space<vmem>>
          %dma_start3A_108 = arith.constant 0 : i32
          %dma_start3A_109 = tpu.memref_slice %arg9[%mul3A_67, %dma_start3A_108] : memref<64x64xi32, #tpu.memory_space<vmem>> -> memref<1x64xi32, #tpu.memory_space<vmem>>
          %dma_start3A_110 = tpu.memref_squeeze %dma_start3A_109 : memref<1x64xi32, #tpu.memory_space<vmem>> -> memref<64xi32, #tpu.memory_space<vmem>>
          %dma_start3A_111 = arith.constant 0 : i32
          %dma_start3A_112 = arith.constant 0 : i32
          %dma_start3A_113 = tpu.memref_slice %arg7[%dma_start3A_111, %dma_start3A_112] : memref<10240x128xf32, #tpu.memory_space<vmem_shared>> -> memref<10240x128xf32, #tpu.memory_space<vmem_shared>>
          tpu.enqueue_indirect_dma source(%dma_start3A_107 : memref<64x128xf32, #tpu.memory_space<vmem>>) target(%dma_start3A_113 : memref<10240x128xf32, #tpu.memory_space<vmem_shared>>) offsets(%dma_start3A_110 : memref<64xi32, #tpu.memory_space<vmem>>) semaphore(%run_scoped3A_103 : memref<!tpu.dma_semaphore, #tpu.memory_space<semaphore_mem>>) {add = true}
          %dma_wait3A_114 = arith.constant 0 : i32
          %dma_wait3A_115 = arith.constant 0 : i32
          %dma_wait3A_116 = tpu.memref_slice %arg10[%run_scoped3A_78, %dma_wait3A_114, %dma_wait3A_115] : memref<2x128x128xf32, #tpu.memory_space<vmem>> -> memref<1x64x128xf32, #tpu.memory_space<vmem>>
          %dma_wait3A_117 = tpu.memref_squeeze %dma_wait3A_116 : memref<1x64x128xf32, #tpu.memory_space<vmem>> -> memref<64x128xf32, #tpu.memory_space<vmem>>
          %dma_wait3A_118 = arith.constant 0 : i32
          %dma_wait3A_119 = tpu.memref_slice %arg9[%mul3A_67, %dma_wait3A_118] : memref<64x64xi32, #tpu.memory_space<vmem>> -> memref<1x64xi32, #tpu.memory_space<vmem>>
          %dma_wait3A_120 = tpu.memref_squeeze %dma_wait3A_119 : memref<1x64xi32, #tpu.memory_space<vmem>> -> memref<64xi32, #tpu.memory_space<vmem>>
          %dma_wait3A_121 = arith.constant 0 : i32
          %dma_wait3A_122 = arith.constant 0 : i32
          %dma_wait3A_123 = tpu.memref_slice %arg7[%dma_wait3A_121, %dma_wait3A_122] : memref<10240x128xf32, #tpu.memory_space<vmem_shared>> -> memref<10240x128xf32, #tpu.memory_space<vmem_shared>>
          tpu.wait_indirect_dma semaphore(%run_scoped3A_103 : memref<!tpu.dma_semaphore, #tpu.memory_space<semaphore_mem>>) src(%dma_wait3A_117 : memref<64x128xf32, #tpu.memory_space<vmem>>) dst(%dma_wait3A_123 : memref<10240x128xf32, #tpu.memory_space<vmem_shared>>)
          tpu.yield
        }) : () -> ()
        %add3A_79 = arith.constant 1 : i32
        %add3A_80 = arith.addi %mul3A_67, %add3A_79 : i32
        %run_scoped3A_81 = arith.constant 0 : i32
        "tpu.region"() ({
          %run_scoped3A_103 = tpu.sem_alloc : memref<!tpu.dma_semaphore, #tpu.memory_space<semaphore_mem>>
          %dma_start3A_104 = arith.constant 64 : i32
          %dma_start3A_105 = arith.constant 0 : i32
          %dma_start3A_106 = tpu.memref_slice %arg10[%run_scoped3A_81, %dma_start3A_104, %dma_start3A_105] : memref<2x128x128xf32, #tpu.memory_space<vmem>> -> memref<1x64x128xf32, #tpu.memory_space<vmem>>
          %dma_start3A_107 = tpu.memref_squeeze %dma_start3A_106 : memref<1x64x128xf32, #tpu.memory_space<vmem>> -> memref<64x128xf32, #tpu.memory_space<vmem>>
          %dma_start3A_108 = arith.constant 0 : i32
          %dma_start3A_109 = tpu.memref_slice %arg9[%add3A_80, %dma_start3A_108] : memref<64x64xi32, #tpu.memory_space<vmem>> -> memref<1x64xi32, #tpu.memory_space<vmem>>
          %dma_start3A_110 = tpu.memref_squeeze %dma_start3A_109 : memref<1x64xi32, #tpu.memory_space<vmem>> -> memref<64xi32, #tpu.memory_space<vmem>>
          %dma_start3A_111 = arith.constant 0 : i32
          %dma_start3A_112 = arith.constant 0 : i32
          %dma_start3A_113 = tpu.memref_slice %arg7[%dma_start3A_111, %dma_start3A_112] : memref<10240x128xf32, #tpu.memory_space<vmem_shared>> -> memref<10240x128xf32, #tpu.memory_space<vmem_shared>>
          tpu.enqueue_indirect_dma source(%dma_start3A_107 : memref<64x128xf32, #tpu.memory_space<vmem>>) target(%dma_start3A_113 : memref<10240x128xf32, #tpu.memory_space<vmem_shared>>) offsets(%dma_start3A_110 : memref<64xi32, #tpu.memory_space<vmem>>) semaphore(%run_scoped3A_103 : memref<!tpu.dma_semaphore, #tpu.memory_space<semaphore_mem>>) {add = true}
          %dma_wait3A_114 = arith.constant 64 : i32
          %dma_wait3A_115 = arith.constant 0 : i32
          %dma_wait3A_116 = tpu.memref_slice %arg10[%run_scoped3A_81, %dma_wait3A_114, %dma_wait3A_115] : memref<2x128x128xf32, #tpu.memory_space<vmem>> -> memref<1x64x128xf32, #tpu.memory_space<vmem>>
          %dma_wait3A_117 = tpu.memref_squeeze %dma_wait3A_116 : memref<1x64x128xf32, #tpu.memory_space<vmem>> -> memref<64x128xf32, #tpu.memory_space<vmem>>
          %dma_wait3A_118 = arith.constant 0 : i32
          %dma_wait3A_119 = tpu.memref_slice %arg9[%add3A_80, %dma_wait3A_118] : memref<64x64xi32, #tpu.memory_space<vmem>> -> memref<1x64xi32, #tpu.memory_space<vmem>>
          %dma_wait3A_120 = tpu.memref_squeeze %dma_wait3A_119 : memref<1x64xi32, #tpu.memory_space<vmem>> -> memref<64xi32, #tpu.memory_space<vmem>>
          %dma_wait3A_121 = arith.constant 0 : i32
          %dma_wait3A_122 = arith.constant 0 : i32
          %dma_wait3A_123 = tpu.memref_slice %arg7[%dma_wait3A_121, %dma_wait3A_122] : memref<10240x128xf32, #tpu.memory_space<vmem_shared>> -> memref<10240x128xf32, #tpu.memory_space<vmem_shared>>
          tpu.wait_indirect_dma semaphore(%run_scoped3A_103 : memref<!tpu.dma_semaphore, #tpu.memory_space<semaphore_mem>>) src(%dma_wait3A_117 : memref<64x128xf32, #tpu.memory_space<vmem>>) dst(%dma_wait3A_123 : memref<10240x128xf32, #tpu.memory_space<vmem_shared>>)
          tpu.yield
        }) : () -> ()
        %add3A_82 = arith.constant 1 : i32
        %add3A_83 = arith.addi %scan3A_50, %add3A_82 : i32
        %lt3A = arith.constant 16 : i32
        %lt3A_84 = arith.cmpi slt, %add3A_83, %lt3A : i32
        %convert_element_type3A = arith.extui %lt3A_84 : i1 to i32
        %cond3A = arith.constant 0 : i32
        %cond3A_85 = arith.cmpi ne, %convert_element_type3A, %cond3A : i32
        scf.if %cond3A_85 {
          %add3A_103 = arith.constant 2 : i32
          %add3A_104 = arith.addi %mul3A_52, %add3A_103 : i32
          %mul3A_105 = arith.constant 128 : i32
          %mul3A_106 = arith.muli %add3A_104, %mul3A_105 : i32
          %dma_start3A_107 = arith.constant 0 : i32
          %dma_start3A_108 = arith.constant 0 : i32
          %dma_start3A_109 = arith.constant 0 : i32
          %dma_start3A_110 = tpu.memref_slice %arg10[%dma_start3A_107, %dma_start3A_108, %dma_start3A_109] : memref<2x128x128xf32, #tpu.memory_space<vmem>> -> memref<1x128x128xf32, #tpu.memory_space<vmem>>
          %dma_start3A_111 = tpu.memref_squeeze %dma_start3A_110 : memref<1x128x128xf32, #tpu.memory_space<vmem>> -> memref<128x128xf32, #tpu.memory_space<vmem>>
          %dma_start3A_112 = tpu.memref_slice %arg8[%mul3A_106] : memref<4096xi32, #tpu.memory_space<vmem>> -> memref<128xi32, #tpu.memory_space<vmem>>
          %dma_start3A_113 = arith.constant 0 : i32
          %dma_start3A_114 = arith.constant 0 : i32
          %dma_start3A_115 = tpu.memref_slice %arg2[%dma_start3A_113, %dma_start3A_114] : memref<10240x128xf32, #tpu.memory_space<hbm>> -> memref<10240x128xf32, #tpu.memory_space<hbm>>
          tpu.enqueue_indirect_dma source(%dma_start3A_115 : memref<10240x128xf32, #tpu.memory_space<hbm>>) target(%dma_start3A_111 : memref<128x128xf32, #tpu.memory_space<vmem>>) offsets(%dma_start3A_112 : memref<128xi32, #tpu.memory_space<vmem>>) semaphore(%arg11 : memref<!tpu.dma_semaphore, #tpu.memory_space<semaphore_mem>>)
        } else {
        }
        %mul3A_86 = arith.constant 2 : i32
        %mul3A_87 = arith.muli %add3A_54, %mul3A_86 : i32
        %mul3A_88 = arith.constant 128 : i32
        %mul3A_89 = arith.muli %add3A_54, %mul3A_88 : i32
        %dma_wait3A_90 = arith.constant 1 : i32
        %dma_wait3A_91 = arith.constant 0 : i32
        %dma_wait3A_92 = arith.constant 0 : i32
        %dma_wait3A_93 = tpu.memref_slice %arg10[%dma_wait3A_90, %dma_wait3A_91, %dma_wait3A_92] : memref<2x128x128xf32, #tpu.memory_space<vmem>> -> memref<1x128x128xf32, #tpu.memory_space<vmem>>
        %dma_wait3A_94 = tpu.memref_squeeze %dma_wait3A_93 : memref<1x128x128xf32, #tpu.memory_space<vmem>> -> memref<128x128xf32, #tpu.memory_space<vmem>>
        %dma_wait3A_95 = tpu.memref_slice %arg8[%mul3A_89] : memref<4096xi32, #tpu.memory_space<vmem>> -> memref<128xi32, #tpu.memory_space<vmem>>
        %dma_wait3A_96 = arith.constant 0 : i32
        %dma_wait3A_97 = arith.constant 0 : i32
        %dma_wait3A_98 = tpu.memref_slice %arg2[%dma_wait3A_96, %dma_wait3A_97] : memref<10240x128xf32, #tpu.memory_space<hbm>> -> memref<10240x128xf32, #tpu.memory_space<hbm>>
        tpu.wait_indirect_dma semaphore(%arg12 : memref<!tpu.dma_semaphore, #tpu.memory_space<semaphore_mem>>) src(%dma_wait3A_98 : memref<10240x128xf32, #tpu.memory_space<hbm>>) dst(%dma_wait3A_94 : memref<128x128xf32, #tpu.memory_space<vmem>>)
        %run_scoped3A_99 = arith.constant 1 : i32
        "tpu.region"() ({
          %run_scoped3A_103 = tpu.sem_alloc : memref<!tpu.dma_semaphore, #tpu.memory_space<semaphore_mem>>
          %dma_start3A_104 = arith.constant 0 : i32
          %dma_start3A_105 = arith.constant 0 : i32
          %dma_start3A_106 = tpu.memref_slice %arg10[%run_scoped3A_99, %dma_start3A_104, %dma_start3A_105] : memref<2x128x128xf32, #tpu.memory_space<vmem>> -> memref<1x64x128xf32, #tpu.memory_space<vmem>>
          %dma_start3A_107 = tpu.memref_squeeze %dma_start3A_106 : memref<1x64x128xf32, #tpu.memory_space<vmem>> -> memref<64x128xf32, #tpu.memory_space<vmem>>
          %dma_start3A_108 = arith.constant 0 : i32
          %dma_start3A_109 = tpu.memref_slice %arg9[%mul3A_87, %dma_start3A_108] : memref<64x64xi32, #tpu.memory_space<vmem>> -> memref<1x64xi32, #tpu.memory_space<vmem>>
          %dma_start3A_110 = tpu.memref_squeeze %dma_start3A_109 : memref<1x64xi32, #tpu.memory_space<vmem>> -> memref<64xi32, #tpu.memory_space<vmem>>
          %dma_start3A_111 = arith.constant 0 : i32
          %dma_start3A_112 = arith.constant 0 : i32
          %dma_start3A_113 = tpu.memref_slice %arg7[%dma_start3A_111, %dma_start3A_112] : memref<10240x128xf32, #tpu.memory_space<vmem_shared>> -> memref<10240x128xf32, #tpu.memory_space<vmem_shared>>
          tpu.enqueue_indirect_dma source(%dma_start3A_107 : memref<64x128xf32, #tpu.memory_space<vmem>>) target(%dma_start3A_113 : memref<10240x128xf32, #tpu.memory_space<vmem_shared>>) offsets(%dma_start3A_110 : memref<64xi32, #tpu.memory_space<vmem>>) semaphore(%run_scoped3A_103 : memref<!tpu.dma_semaphore, #tpu.memory_space<semaphore_mem>>) {add = true}
          %dma_wait3A_114 = arith.constant 0 : i32
          %dma_wait3A_115 = arith.constant 0 : i32
          %dma_wait3A_116 = tpu.memref_slice %arg10[%run_scoped3A_99, %dma_wait3A_114, %dma_wait3A_115] : memref<2x128x128xf32, #tpu.memory_space<vmem>> -> memref<1x64x128xf32, #tpu.memory_space<vmem>>
          %dma_wait3A_117 = tpu.memref_squeeze %dma_wait3A_116 : memref<1x64x128xf32, #tpu.memory_space<vmem>> -> memref<64x128xf32, #tpu.memory_space<vmem>>
          %dma_wait3A_118 = arith.constant 0 : i32
          %dma_wait3A_119 = tpu.memref_slice %arg9[%mul3A_87, %dma_wait3A_118] : memref<64x64xi32, #tpu.memory_space<vmem>> -> memref<1x64xi32, #tpu.memory_space<vmem>>
          %dma_wait3A_120 = tpu.memref_squeeze %dma_wait3A_119 : memref<1x64xi32, #tpu.memory_space<vmem>> -> memref<64xi32, #tpu.memory_space<vmem>>
          %dma_wait3A_121 = arith.constant 0 : i32
          %dma_wait3A_122 = arith.constant 0 : i32
          %dma_wait3A_123 = tpu.memref_slice %arg7[%dma_wait3A_121, %dma_wait3A_122] : memref<10240x128xf32, #tpu.memory_space<vmem_shared>> -> memref<10240x128xf32, #tpu.memory_space<vmem_shared>>
          tpu.wait_indirect_dma semaphore(%run_scoped3A_103 : memref<!tpu.dma_semaphore, #tpu.memory_space<semaphore_mem>>) src(%dma_wait3A_117 : memref<64x128xf32, #tpu.memory_space<vmem>>) dst(%dma_wait3A_123 : memref<10240x128xf32, #tpu.memory_space<vmem_shared>>)
          tpu.yield
        }) : () -> ()
        %add3A_100 = arith.constant 1 : i32
        %add3A_101 = arith.addi %mul3A_87, %add3A_100 : i32
        %run_scoped3A_102 = arith.constant 1 : i32
        "tpu.region"() ({
          %run_scoped3A_103 = tpu.sem_alloc : memref<!tpu.dma_semaphore, #tpu.memory_space<semaphore_mem>>
          %dma_start3A_104 = arith.constant 64 : i32
          %dma_start3A_105 = arith.constant 0 : i32
          %dma_start3A_106 = tpu.memref_slice %arg10[%run_scoped3A_102, %dma_start3A_104, %dma_start3A_105] : memref<2x128x128xf32, #tpu.memory_space<vmem>> -> memref<1x64x128xf32, #tpu.memory_space<vmem>>
          %dma_start3A_107 = tpu.memref_squeeze %dma_start3A_106 : memref<1x64x128xf32, #tpu.memory_space<vmem>> -> memref<64x128xf32, #tpu.memory_space<vmem>>
          %dma_start3A_108 = arith.constant 0 : i32
          %dma_start3A_109 = tpu.memref_slice %arg9[%add3A_101, %dma_start3A_108] : memref<64x64xi32, #tpu.memory_space<vmem>> -> memref<1x64xi32, #tpu.memory_space<vmem>>
          %dma_start3A_110 = tpu.memref_squeeze %dma_start3A_109 : memref<1x64xi32, #tpu.memory_space<vmem>> -> memref<64xi32, #tpu.memory_space<vmem>>
          %dma_start3A_111 = arith.constant 0 : i32
          %dma_start3A_112 = arith.constant 0 : i32
          %dma_start3A_113 = tpu.memref_slice %arg7[%dma_start3A_111, %dma_start3A_112] : memref<10240x128xf32, #tpu.memory_space<vmem_shared>> -> memref<10240x128xf32, #tpu.memory_space<vmem_shared>>
          tpu.enqueue_indirect_dma source(%dma_start3A_107 : memref<64x128xf32, #tpu.memory_space<vmem>>) target(%dma_start3A_113 : memref<10240x128xf32, #tpu.memory_space<vmem_shared>>) offsets(%dma_start3A_110 : memref<64xi32, #tpu.memory_space<vmem>>) semaphore(%run_scoped3A_103 : memref<!tpu.dma_semaphore, #tpu.memory_space<semaphore_mem>>) {add = true}
          %dma_wait3A_114 = arith.constant 64 : i32
          %dma_wait3A_115 = arith.constant 0 : i32
          %dma_wait3A_116 = tpu.memref_slice %arg10[%run_scoped3A_102, %dma_wait3A_114, %dma_wait3A_115] : memref<2x128x128xf32, #tpu.memory_space<vmem>> -> memref<1x64x128xf32, #tpu.memory_space<vmem>>
          %dma_wait3A_117 = tpu.memref_squeeze %dma_wait3A_116 : memref<1x64x128xf32, #tpu.memory_space<vmem>> -> memref<64x128xf32, #tpu.memory_space<vmem>>
          %dma_wait3A_118 = arith.constant 0 : i32
          %dma_wait3A_119 = tpu.memref_slice %arg9[%add3A_101, %dma_wait3A_118] : memref<64x64xi32, #tpu.memory_space<vmem>> -> memref<1x64xi32, #tpu.memory_space<vmem>>
          %dma_wait3A_120 = tpu.memref_squeeze %dma_wait3A_119 : memref<1x64xi32, #tpu.memory_space<vmem>> -> memref<64xi32, #tpu.memory_space<vmem>>
          %dma_wait3A_121 = arith.constant 0 : i32
          %dma_wait3A_122 = arith.constant 0 : i32
          %dma_wait3A_123 = tpu.memref_slice %arg7[%dma_wait3A_121, %dma_wait3A_122] : memref<10240x128xf32, #tpu.memory_space<vmem_shared>> -> memref<10240x128xf32, #tpu.memory_space<vmem_shared>>
          tpu.wait_indirect_dma semaphore(%run_scoped3A_103 : memref<!tpu.dma_semaphore, #tpu.memory_space<semaphore_mem>>) src(%dma_wait3A_117 : memref<64x128xf32, #tpu.memory_space<vmem>>) dst(%dma_wait3A_123 : memref<10240x128xf32, #tpu.memory_space<vmem_shared>>)
          tpu.yield
        }) : () -> ()
      }
      %scan3A_49 = arith.constant 16 : i32
    }
    %barrier3A_22 = arith.constant 0 : index
    tpu.barrier barrier_id(%barrier3A_22)
    %scan3A_23 = arith.constant 0 : i32
    %scan3A_24 = arith.constant 0 : i32
    %scan3A_25 = arith.constant 10 : i32
    %scan3A_26 = arith.addi %scan3A_24, %scan3A_25 : i32
    %scan3A_27 = arith.constant 1 : i32
    scf.for %scan3A_29 = %scan3A_24 to %scan3A_26 step %scan3A_27  : i32 {
      %mul3A_30 = arith.constant 640 : i32
      %mul3A_31 = arith.muli %arg1, %mul3A_30 : i32
      %mul3A_32 = arith.constant 64 : i32
      %mul3A_33 = arith.muli %scan3A_29, %mul3A_32 : i32
      %add3A_34 = arith.addi %mul3A_31, %mul3A_33 : i32
      %run_scoped3A_35 = arith.constant 0 : i32
      "tpu.region"() ({
        %run_scoped3A_37 = tpu.sem_alloc : memref<!tpu.dma_semaphore, #tpu.memory_space<semaphore_mem>>
        %dma_start3A = arith.constant 0 : i32
        %dma_start3A_38 = arith.constant 0 : i32
        %dma_start3A_39 = tpu.memref_slice %arg10[%run_scoped3A_35, %dma_start3A, %dma_start3A_38] : memref<2x128x128xf32, #tpu.memory_space<vmem>> -> memref<1x64x128xf32, #tpu.memory_space<vmem>>
        %dma_start3A_40 = tpu.memref_squeeze %dma_start3A_39 : memref<1x64x128xf32, #tpu.memory_space<vmem>> -> memref<64x128xf32, #tpu.memory_space<vmem>>
        %dma_start3A_41 = arith.constant 0 : i32
        %dma_start3A_42 = tpu.memref_slice %arg7[%add3A_34, %dma_start3A_41] : memref<10240x128xf32, #tpu.memory_space<vmem_shared>> -> memref<64x128xf32, #tpu.memory_space<vmem_shared>>
        %dma_start3A_43 = arith.constant 0 : i32
        %dma_start3A_44 = arith.constant 0 : i32
        %dma_start3A_45 = tpu.memref_slice %arg10[%run_scoped3A_35, %dma_start3A_43, %dma_start3A_44] : memref<2x128x128xf32, #tpu.memory_space<vmem>> -> memref<1x64x128xf32, #tpu.memory_space<vmem>>
        %dma_start3A_46 = tpu.memref_squeeze %dma_start3A_45 : memref<1x64x128xf32, #tpu.memory_space<vmem>> -> memref<64x128xf32, #tpu.memory_space<vmem>>
        %dma_start3A_47 = arith.constant 0 : i32
        %dma_start3A_48 = tpu.memref_slice %arg7[%add3A_34, %dma_start3A_47] : memref<10240x128xf32, #tpu.memory_space<vmem_shared>> -> memref<64x128xf32, #tpu.memory_space<vmem_shared>>
        tpu.enqueue_dma source(%dma_start3A_48 : memref<64x128xf32, #tpu.memory_space<vmem_shared>>) target(%dma_start3A_46 : memref<64x128xf32, #tpu.memory_space<vmem>>) target_semaphore(%run_scoped3A_37 : memref<!tpu.dma_semaphore, #tpu.memory_space<semaphore_mem>>)
        %dma_wait3A = arith.constant 0 : i32
        %dma_wait3A_49 = arith.constant 0 : i32
        %dma_wait3A_50 = tpu.memref_slice %arg10[%run_scoped3A_35, %dma_wait3A, %dma_wait3A_49] : memref<2x128x128xf32, #tpu.memory_space<vmem>> -> memref<1x64x128xf32, #tpu.memory_space<vmem>>
        %dma_wait3A_51 = tpu.memref_squeeze %dma_wait3A_50 : memref<1x64x128xf32, #tpu.memory_space<vmem>> -> memref<64x128xf32, #tpu.memory_space<vmem>>
        %dma_wait3A_52 = arith.constant 0 : i32
        %dma_wait3A_53 = tpu.memref_slice %arg7[%add3A_34, %dma_wait3A_52] : memref<10240x128xf32, #tpu.memory_space<vmem_shared>> -> memref<64x128xf32, #tpu.memory_space<vmem_shared>>
        %dma_wait3A_54 = arith.constant 0 : i32
        %dma_wait3A_55 = arith.constant 0 : i32
        %dma_wait3A_56 = tpu.memref_slice %arg10[%run_scoped3A_35, %dma_wait3A_54, %dma_wait3A_55] : memref<2x128x128xf32, #tpu.memory_space<vmem>> -> memref<1x64x128xf32, #tpu.memory_space<vmem>>
        %dma_wait3A_57 = tpu.memref_squeeze %dma_wait3A_56 : memref<1x64x128xf32, #tpu.memory_space<vmem>> -> memref<64x128xf32, #tpu.memory_space<vmem>>
        %dma_wait3A_58 = arith.constant 0 : i32
        %dma_wait3A_59 = tpu.memref_slice %arg7[%add3A_34, %dma_wait3A_58] : memref<10240x128xf32, #tpu.memory_space<vmem_shared>> -> memref<64x128xf32, #tpu.memory_space<vmem_shared>>
        tpu.wait_dma2 semaphore(%run_scoped3A_37 : memref<!tpu.dma_semaphore, #tpu.memory_space<semaphore_mem>>) src(%dma_wait3A_59 : memref<64x128xf32, #tpu.memory_space<vmem_shared>>) dst(%dma_wait3A_57 : memref<64x128xf32, #tpu.memory_space<vmem>>)
        tpu.yield
      }) : () -> ()
      %run_scoped3A_36 = arith.constant 0 : i32
      "tpu.region"() ({
        %run_scoped3A_37 = tpu.sem_alloc : memref<!tpu.dma_semaphore, #tpu.memory_space<semaphore_mem>>
        %dma_start3A = arith.constant 0 : i32
        %dma_start3A_38 = arith.constant 0 : i32
        %dma_start3A_39 = tpu.memref_slice %arg10[%run_scoped3A_36, %dma_start3A, %dma_start3A_38] : memref<2x128x128xf32, #tpu.memory_space<vmem>> -> memref<1x64x128xf32, #tpu.memory_space<vmem>>
        %dma_start3A_40 = tpu.memref_squeeze %dma_start3A_39 : memref<1x64x128xf32, #tpu.memory_space<vmem>> -> memref<64x128xf32, #tpu.memory_space<vmem>>
        %dma_start3A_41 = arith.constant 0 : i32
        %dma_start3A_42 = tpu.memref_slice %arg6[%arg0, %add3A_34, %dma_start3A_41] : memref<2x10240x128xf32, #tpu.memory_space<hbm>> -> memref<1x64x128xf32, #tpu.memory_space<hbm>>
        %dma_start3A_43 = tpu.memref_squeeze %dma_start3A_42 : memref<1x64x128xf32, #tpu.memory_space<hbm>> -> memref<64x128xf32, #tpu.memory_space<hbm>>
        %dma_start3A_44 = arith.constant 0 : i32
        %dma_start3A_45 = tpu.memref_slice %arg6[%arg0, %add3A_34, %dma_start3A_44] : memref<2x10240x128xf32, #tpu.memory_space<hbm>> -> memref<1x64x128xf32, #tpu.memory_space<hbm>>
        %dma_start3A_46 = tpu.memref_squeeze %dma_start3A_45 : memref<1x64x128xf32, #tpu.memory_space<hbm>> -> memref<64x128xf32, #tpu.memory_space<hbm>>
        %dma_start3A_47 = arith.constant 0 : i32
        %dma_start3A_48 = arith.constant 0 : i32
        %dma_start3A_49 = tpu.memref_slice %arg10[%run_scoped3A_36, %dma_start3A_47, %dma_start3A_48] : memref<2x128x128xf32, #tpu.memory_space<vmem>> -> memref<1x64x128xf32, #tpu.memory_space<vmem>>
        %dma_start3A_50 = tpu.memref_squeeze %dma_start3A_49 : memref<1x64x128xf32, #tpu.memory_space<vmem>> -> memref<64x128xf32, #tpu.memory_space<vmem>>
        tpu.enqueue_dma source(%dma_start3A_50 : memref<64x128xf32, #tpu.memory_space<vmem>>) target(%dma_start3A_46 : memref<64x128xf32, #tpu.memory_space<hbm>>) target_semaphore(%run_scoped3A_37 : memref<!tpu.dma_semaphore, #tpu.memory_space<semaphore_mem>>)
        %dma_wait3A = arith.constant 0 : i32
        %dma_wait3A_51 = arith.constant 0 : i32
        %dma_wait3A_52 = tpu.memref_slice %arg10[%run_scoped3A_36, %dma_wait3A, %dma_wait3A_51] : memref<2x128x128xf32, #tpu.memory_space<vmem>> -> memref<1x64x128xf32, #tpu.memory_space<vmem>>
        %dma_wait3A_53 = tpu.memref_squeeze %dma_wait3A_52 : memref<1x64x128xf32, #tpu.memory_space<vmem>> -> memref<64x128xf32, #tpu.memory_space<vmem>>
        %dma_wait3A_54 = arith.constant 0 : i32
        %dma_wait3A_55 = tpu.memref_slice %arg6[%arg0, %add3A_34, %dma_wait3A_54] : memref<2x10240x128xf32, #tpu.memory_space<hbm>> -> memref<1x64x128xf32, #tpu.memory_space<hbm>>
        %dma_wait3A_56 = tpu.memref_squeeze %dma_wait3A_55 : memref<1x64x128xf32, #tpu.memory_space<hbm>> -> memref<64x128xf32, #tpu.memory_space<hbm>>
        %dma_wait3A_57 = arith.constant 0 : i32
        %dma_wait3A_58 = tpu.memref_slice %arg6[%arg0, %add3A_34, %dma_wait3A_57] : memref<2x10240x128xf32, #tpu.memory_space<hbm>> -> memref<1x64x128xf32, #tpu.memory_space<hbm>>
        %dma_wait3A_59 = tpu.memref_squeeze %dma_wait3A_58 : memref<1x64x128xf32, #tpu.memory_space<hbm>> -> memref<64x128xf32, #tpu.memory_space<hbm>>
        %dma_wait3A_60 = arith.constant 0 : i32
        %dma_wait3A_61 = arith.constant 0 : i32
        %dma_wait3A_62 = tpu.memref_slice %arg10[%run_scoped3A_36, %dma_wait3A_60, %dma_wait3A_61] : memref<2x128x128xf32, #tpu.memory_space<vmem>> -> memref<1x64x128xf32, #tpu.memory_space<vmem>>
        %dma_wait3A_63 = tpu.memref_squeeze %dma_wait3A_62 : memref<1x64x128xf32, #tpu.memory_space<vmem>> -> memref<64x128xf32, #tpu.memory_space<vmem>>
        tpu.wait_dma2 semaphore(%run_scoped3A_37 : memref<!tpu.dma_semaphore, #tpu.memory_space<semaphore_mem>>) src(%dma_wait3A_63 : memref<64x128xf32, #tpu.memory_space<vmem>>) dst(%dma_wait3A_59 : memref<64x128xf32, #tpu.memory_space<hbm>>)
        tpu.yield
      }) : () -> ()
    }
    %scan3A_28 = arith.constant 10 : i32
    return
  }
}

#map = affine_map<(d0, d1) -> (0)>
module attributes {stable_mosaic.version = 14 : i64} {
  func.func @k(%arg0: i32, %arg1: i32, %arg2: memref<327680xi32, #tpu.memory_space<hbm>>, %arg3: memref<640xf32, #tpu.memory_space<hbm>>, %arg4: memref<10240xf32, #tpu.memory_space<hbm>>, %arg5: memref<20480xf32, #tpu.memory_space<hbm>>, %arg6: memref<10240xf32, #tpu.memory_space<vmem_shared>>, %arg7: memref<10240xi32, #tpu.memory_space<vmem>>, %arg8: memref<10240xf32, #tpu.memory_space<vmem>>, %arg9: memref<640xf32, #tpu.memory_space<vmem>>) attributes {dimension_semantics = [#tpu.dimension_semantics<core_parallel>, #tpu.dimension_semantics<subcore_parallel>], iteration_bounds = array<i64: 2, 16>, scalar_prefetch = 0 : i64, scratch_operands = 4 : i64, tpu.core_type = #tpu.core_type<sc_vector_subcore>, window_params = [{transform_indices = #map}, {transform_indices = #map}, {transform_indices = #map}, {transform_indices = #map}]} {
    %mul3A = arith.constant 2 : i32
    %mul3A_0 = arith.muli %arg1, %mul3A : i32
    %add3A = arith.addi %mul3A_0, %arg0 : i32
    "tpu.region"() ({
      %run_scoped3A = tpu.sem_alloc : memref<!tpu.dma_semaphore, #tpu.memory_space<semaphore_mem>>
      tpu.enqueue_dma source(%arg4 : memref<10240xf32, #tpu.memory_space<hbm>>) target(%arg8 : memref<10240xf32, #tpu.memory_space<vmem>>) target_semaphore(%run_scoped3A : memref<!tpu.dma_semaphore, #tpu.memory_space<semaphore_mem>>)
      tpu.wait_dma2 semaphore(%run_scoped3A : memref<!tpu.dma_semaphore, #tpu.memory_space<semaphore_mem>>) src(%arg4 : memref<10240xf32, #tpu.memory_space<hbm>>) dst(%arg8 : memref<10240xf32, #tpu.memory_space<vmem>>)
      tpu.yield
    }) : () -> ()
    %mul3A_1 = arith.constant 10240 : i32
    %mul3A_2 = arith.muli %add3A, %mul3A_1 : i32
    "tpu.region"() ({
      %run_scoped3A = tpu.sem_alloc : memref<!tpu.dma_semaphore, #tpu.memory_space<semaphore_mem>>
      %dma_start3A = tpu.memref_slice %arg2[%mul3A_2] : memref<327680xi32, #tpu.memory_space<hbm>> -> memref<10240xi32, #tpu.memory_space<hbm>>
      %dma_start3A_13 = tpu.memref_slice %arg2[%mul3A_2] : memref<327680xi32, #tpu.memory_space<hbm>> -> memref<10240xi32, #tpu.memory_space<hbm>>
      tpu.enqueue_dma source(%dma_start3A_13 : memref<10240xi32, #tpu.memory_space<hbm>>) target(%arg7 : memref<10240xi32, #tpu.memory_space<vmem>>) target_semaphore(%run_scoped3A : memref<!tpu.dma_semaphore, #tpu.memory_space<semaphore_mem>>)
      %dma_wait3A = tpu.memref_slice %arg2[%mul3A_2] : memref<327680xi32, #tpu.memory_space<hbm>> -> memref<10240xi32, #tpu.memory_space<hbm>>
      %dma_wait3A_14 = tpu.memref_slice %arg2[%mul3A_2] : memref<327680xi32, #tpu.memory_space<hbm>> -> memref<10240xi32, #tpu.memory_space<hbm>>
      tpu.wait_dma2 semaphore(%run_scoped3A : memref<!tpu.dma_semaphore, #tpu.memory_space<semaphore_mem>>) src(%dma_wait3A_14 : memref<10240xi32, #tpu.memory_space<hbm>>) dst(%arg7 : memref<10240xi32, #tpu.memory_space<vmem>>)
      tpu.yield
    }) : () -> ()
    "tpu.region"() ({
      %run_scoped3A = tpu.sem_alloc : memref<!tpu.dma_semaphore, #tpu.memory_space<semaphore_mem>>
      tpu.enqueue_dma source(%arg3 : memref<640xf32, #tpu.memory_space<hbm>>) target(%arg9 : memref<640xf32, #tpu.memory_space<vmem>>) target_semaphore(%run_scoped3A : memref<!tpu.dma_semaphore, #tpu.memory_space<semaphore_mem>>)
      tpu.wait_dma2 semaphore(%run_scoped3A : memref<!tpu.dma_semaphore, #tpu.memory_space<semaphore_mem>>) src(%arg3 : memref<640xf32, #tpu.memory_space<hbm>>) dst(%arg9 : memref<640xf32, #tpu.memory_space<vmem>>)
      tpu.yield
    }) : () -> ()
    %mul3A_3 = arith.constant 640 : i32
    %mul3A_4 = arith.muli %arg1, %mul3A_3 : i32
    "tpu.region"() ({
      %run_scoped3A = tpu.sem_alloc : memref<!tpu.dma_semaphore, #tpu.memory_space<semaphore_mem>>
      %dma_start3A = tpu.memref_slice %arg6[%mul3A_4] : memref<10240xf32, #tpu.memory_space<vmem_shared>> -> memref<640xf32, #tpu.memory_space<vmem_shared>>
      %dma_start3A_13 = tpu.memref_slice %arg6[%mul3A_4] : memref<10240xf32, #tpu.memory_space<vmem_shared>> -> memref<640xf32, #tpu.memory_space<vmem_shared>>
      tpu.enqueue_dma source(%arg9 : memref<640xf32, #tpu.memory_space<vmem>>) target(%dma_start3A_13 : memref<640xf32, #tpu.memory_space<vmem_shared>>) target_semaphore(%run_scoped3A : memref<!tpu.dma_semaphore, #tpu.memory_space<semaphore_mem>>)
      %dma_wait3A = tpu.memref_slice %arg6[%mul3A_4] : memref<10240xf32, #tpu.memory_space<vmem_shared>> -> memref<640xf32, #tpu.memory_space<vmem_shared>>
      %dma_wait3A_14 = tpu.memref_slice %arg6[%mul3A_4] : memref<10240xf32, #tpu.memory_space<vmem_shared>> -> memref<640xf32, #tpu.memory_space<vmem_shared>>
      tpu.wait_dma2 semaphore(%run_scoped3A : memref<!tpu.dma_semaphore, #tpu.memory_space<semaphore_mem>>) src(%arg9 : memref<640xf32, #tpu.memory_space<vmem>>) dst(%dma_wait3A_14 : memref<640xf32, #tpu.memory_space<vmem_shared>>)
      tpu.yield
    }) : () -> ()
    %barrier3A = arith.constant 0 : index
    tpu.barrier barrier_id(%barrier3A)
    "tpu.region"() ({
      %run_scoped3A = tpu.sem_alloc : memref<!tpu.dma_semaphore, #tpu.memory_space<semaphore_mem>>
      %dma_start3A = arith.constant 0 : i32
      %dma_start3A_13 = tpu.memref_slice %arg6[%dma_start3A] : memref<10240xf32, #tpu.memory_space<vmem_shared>> -> memref<10240xf32, #tpu.memory_space<vmem_shared>>
      tpu.enqueue_indirect_dma source(%arg8 : memref<10240xf32, #tpu.memory_space<vmem>>) target(%dma_start3A_13 : memref<10240xf32, #tpu.memory_space<vmem_shared>>) offsets(%arg7 : memref<10240xi32, #tpu.memory_space<vmem>>) semaphore(%run_scoped3A : memref<!tpu.dma_semaphore, #tpu.memory_space<semaphore_mem>>) {add = true}
      %dma_wait3A = arith.constant 0 : i32
      %dma_wait3A_14 = tpu.memref_slice %arg6[%dma_wait3A] : memref<10240xf32, #tpu.memory_space<vmem_shared>> -> memref<10240xf32, #tpu.memory_space<vmem_shared>>
      tpu.wait_indirect_dma semaphore(%run_scoped3A : memref<!tpu.dma_semaphore, #tpu.memory_space<semaphore_mem>>) src(%arg8 : memref<10240xf32, #tpu.memory_space<vmem>>) dst(%dma_wait3A_14 : memref<10240xf32, #tpu.memory_space<vmem_shared>>)
      tpu.yield
    }) : () -> ()
    %barrier3A_5 = arith.constant 0 : index
    tpu.barrier barrier_id(%barrier3A_5)
    %mul3A_6 = arith.constant 640 : i32
    %mul3A_7 = arith.muli %arg1, %mul3A_6 : i32
    "tpu.region"() ({
      %run_scoped3A = tpu.sem_alloc : memref<!tpu.dma_semaphore, #tpu.memory_space<semaphore_mem>>
      %dma_start3A = tpu.memref_slice %arg6[%mul3A_7] : memref<10240xf32, #tpu.memory_space<vmem_shared>> -> memref<640xf32, #tpu.memory_space<vmem_shared>>
      %dma_start3A_13 = tpu.memref_slice %arg6[%mul3A_7] : memref<10240xf32, #tpu.memory_space<vmem_shared>> -> memref<640xf32, #tpu.memory_space<vmem_shared>>
      tpu.enqueue_dma source(%dma_start3A_13 : memref<640xf32, #tpu.memory_space<vmem_shared>>) target(%arg9 : memref<640xf32, #tpu.memory_space<vmem>>) target_semaphore(%run_scoped3A : memref<!tpu.dma_semaphore, #tpu.memory_space<semaphore_mem>>)
      %dma_wait3A = tpu.memref_slice %arg6[%mul3A_7] : memref<10240xf32, #tpu.memory_space<vmem_shared>> -> memref<640xf32, #tpu.memory_space<vmem_shared>>
      %dma_wait3A_14 = tpu.memref_slice %arg6[%mul3A_7] : memref<10240xf32, #tpu.memory_space<vmem_shared>> -> memref<640xf32, #tpu.memory_space<vmem_shared>>
      tpu.wait_dma2 semaphore(%run_scoped3A : memref<!tpu.dma_semaphore, #tpu.memory_space<semaphore_mem>>) src(%dma_wait3A_14 : memref<640xf32, #tpu.memory_space<vmem_shared>>) dst(%arg9 : memref<640xf32, #tpu.memory_space<vmem>>)
      tpu.yield
    }) : () -> ()
    %mul3A_8 = arith.constant 10240 : i32
    %mul3A_9 = arith.muli %arg0, %mul3A_8 : i32
    %mul3A_10 = arith.constant 640 : i32
    %mul3A_11 = arith.muli %arg1, %mul3A_10 : i32
    %add3A_12 = arith.addi %mul3A_9, %mul3A_11 : i32
    "tpu.region"() ({
      %run_scoped3A = tpu.sem_alloc : memref<!tpu.dma_semaphore, #tpu.memory_space<semaphore_mem>>
      %dma_start3A = tpu.memref_slice %arg5[%add3A_12] : memref<20480xf32, #tpu.memory_space<hbm>> -> memref<640xf32, #tpu.memory_space<hbm>>
      %dma_start3A_13 = tpu.memref_slice %arg5[%add3A_12] : memref<20480xf32, #tpu.memory_space<hbm>> -> memref<640xf32, #tpu.memory_space<hbm>>
      tpu.enqueue_dma source(%arg9 : memref<640xf32, #tpu.memory_space<vmem>>) target(%dma_start3A_13 : memref<640xf32, #tpu.memory_space<hbm>>) target_semaphore(%run_scoped3A : memref<!tpu.dma_semaphore, #tpu.memory_space<semaphore_mem>>)
      %dma_wait3A = tpu.memref_slice %arg5[%add3A_12] : memref<20480xf32, #tpu.memory_space<hbm>> -> memref<640xf32, #tpu.memory_space<hbm>>
      %dma_wait3A_14 = tpu.memref_slice %arg5[%add3A_12] : memref<20480xf32, #tpu.memory_space<hbm>> -> memref<640xf32, #tpu.memory_space<hbm>>
      tpu.wait_dma2 semaphore(%run_scoped3A : memref<!tpu.dma_semaphore, #tpu.memory_space<semaphore_mem>>) src(%arg9 : memref<640xf32, #tpu.memory_space<vmem>>) dst(%dma_wait3A_14 : memref<640xf32, #tpu.memory_space<hbm>>)
      tpu.yield
    }) : () -> ()
    return
  }
}

module attributes {stable_mosaic.version = 14 : i64} {
  func.func @body(%arg0: memref<10000x128xf32, #tpu.memory_space<vmem>>, %arg1: memref<1x128xf32, #tpu.memory_space<vmem>>, %arg2: memref<1x128xf32, #tpu.memory_space<vmem>>, %arg3: memref<128x128xf32, #tpu.memory_space<vmem>>, %arg4: memref<2x10240x1xf32, #tpu.memory_space<vmem>>, %arg5: memref<10240x128xf32, #tpu.memory_space<vmem>>, %arg6: memref<10240x1xf32, #tpu.memory_space<vmem>>) attributes {dimension_semantics = [], scalar_prefetch = 0 : i64, scratch_operands = 0 : i64, tpu.core_type = #tpu.core_type<tc>} {
    %get3A = arith.constant 0 : index
    %get3A_0 = arith.constant 0 : index
    %get3A_1 = vector.load %arg0[%get3A, %get3A_0] : memref<10000x128xf32, #tpu.memory_space<vmem>>, vector<10000x128xf32>
    %reduce_sum3A = arith.constant dense<0.000000e+00> : vector<128xf32>
    %reduce_sum3A_2 = vector.multi_reduction <add>, %get3A_1, %reduce_sum3A [0] : vector<10000x128xf32> to vector<128xf32>
    %broadcast_in_dim3A = vector.shape_cast %reduce_sum3A_2 : vector<128xf32> to vector<1x128xf32>
    %div3A = arith.constant 1.000000e+04 : f32
    %div3A_3 = vector.broadcast %div3A : f32 to vector<1x128xf32>
    %div3A_4 = arith.divf %broadcast_in_dim3A, %div3A_3 : vector<1x128xf32>
    %sub3A = vector.broadcast %div3A_4 : vector<1x128xf32> to vector<10000x128xf32>
    %sub3A_5 = arith.subf %get3A_1, %sub3A : vector<10000x128xf32>
    %mul3A = arith.mulf %sub3A_5, %sub3A_5 : vector<10000x128xf32>
    %reduce_sum3A_6 = arith.constant dense<0.000000e+00> : vector<128xf32>
    %reduce_sum3A_7 = vector.multi_reduction <add>, %mul3A, %reduce_sum3A_6 [0] : vector<10000x128xf32> to vector<128xf32>
    %broadcast_in_dim3A_8 = vector.shape_cast %reduce_sum3A_7 : vector<128xf32> to vector<1x128xf32>
    %div3A_9 = arith.constant 1.000000e+04 : f32
    %div3A_10 = vector.broadcast %div3A_9 : f32 to vector<1x128xf32>
    %div3A_11 = arith.divf %broadcast_in_dim3A_8, %div3A_10 : vector<1x128xf32>
    %add3A = arith.constant 9.99999974E-6 : f32
    %add3A_12 = vector.broadcast %add3A : f32 to vector<1x128xf32>
    %add3A_13 = arith.addf %div3A_11, %add3A_12 : vector<1x128xf32>
    %rsqrt3A = math.rsqrt %add3A_13 : vector<1x128xf32>
    %mul3A_14 = vector.broadcast %rsqrt3A : vector<1x128xf32> to vector<10000x128xf32>
    %mul3A_15 = arith.mulf %sub3A_5, %mul3A_14 : vector<10000x128xf32>
    %get3A_16 = arith.constant 0 : index
    %get3A_17 = arith.constant 0 : index
    %get3A_18 = vector.load %arg1[%get3A_16, %get3A_17] : memref<1x128xf32, #tpu.memory_space<vmem>>, vector<1x128xf32>
    %mul3A_19 = vector.broadcast %get3A_18 : vector<1x128xf32> to vector<10000x128xf32>
    %mul3A_20 = arith.mulf %mul3A_15, %mul3A_19 : vector<10000x128xf32>
    %get3A_21 = arith.constant 0 : index
    %get3A_22 = arith.constant 0 : index
    %get3A_23 = vector.load %arg2[%get3A_21, %get3A_22] : memref<1x128xf32, #tpu.memory_space<vmem>>, vector<1x128xf32>
    %add3A_24 = vector.broadcast %get3A_23 : vector<1x128xf32> to vector<10000x128xf32>
    %add3A_25 = arith.addf %mul3A_20, %add3A_24 : vector<10000x128xf32>
    %max3A = arith.constant 0.000000e+00 : f32
    %max3A_26 = vector.broadcast %max3A : f32 to vector<10000x128xf32>
    %max3A_27 = arith.maximumf %add3A_25, %max3A_26 : vector<10000x128xf32>
    %get3A_28 = arith.constant 0 : index
    %get3A_29 = arith.constant 0 : index
    %get3A_30 = vector.load %arg3[%get3A_28, %get3A_29] : memref<128x128xf32, #tpu.memory_space<vmem>>, vector<128x128xf32>
    %dot_general3A = arith.constant dense<0.000000e+00> : vector<10000x128xf32>
    %dot_general3A_31 = tpu.matmul %max3A_27, %get3A_30, %dot_general3A {dimension_numbers = #tpu.dot_dimension_numbers<[1], [0], [0], [1], [0, 0, 1, 1], [], []>, transpose_lhs_hint = false} : vector<10000x128xf32>, vector<128x128xf32>, vector<10000x128xf32> -> vector<10000x128xf32>
    %get3A_32 = arith.constant 0 : index
    %get3A_33 = arith.constant 0 : index
    %get3A_34 = arith.constant 0 : index
    %get3A_35 = vector.load %arg4[%get3A_32, %get3A_33, %get3A_34] : memref<2x10240x1xf32, #tpu.memory_space<vmem>>, vector<1x10240x1xf32>
    %get3A_36 = vector.shape_cast %get3A_35 : vector<1x10240x1xf32> to vector<10240x1xf32>
    %get3A_37 = arith.constant 1 : index
    %get3A_38 = arith.constant 0 : index
    %get3A_39 = arith.constant 0 : index
    %get3A_40 = vector.load %arg4[%get3A_37, %get3A_38, %get3A_39] : memref<2x10240x1xf32, #tpu.memory_space<vmem>>, vector<1x10240x1xf32>
    %get3A_41 = vector.shape_cast %get3A_40 : vector<1x10240x1xf32> to vector<10240x1xf32>
    %add3A_42 = arith.addf %get3A_36, %get3A_41 : vector<10240x1xf32>
    %gt3A = arith.constant 0.000000e+00 : f32
    %gt3A_43 = vector.broadcast %gt3A : f32 to vector<10240x1xf32>
    %gt3A_44 = arith.cmpf ogt, %add3A_42, %gt3A_43 : vector<10240x1xf32>
    %max3A_45 = arith.constant 1.000000e+00 : f32
    %max3A_46 = vector.broadcast %max3A_45 : f32 to vector<10240x1xf32>
    %max3A_47 = arith.maximumf %add3A_42, %max3A_46 : vector<10240x1xf32>
    %rsqrt3A_48 = math.rsqrt %max3A_47 : vector<10240x1xf32>
    %jit3A = arith.constant 0.000000e+00 : f32
    %broadcast_in_dim3A_49 = vector.broadcast %jit3A : f32 to vector<10240x1xf32>
    %select_n3A = arith.select %gt3A_44, %rsqrt3A_48, %broadcast_in_dim3A_49 : vector<10240x1xi1>, vector<10240x1xf32>
    %swap3A = arith.constant 0 : index
    %swap3A_50 = arith.constant 0 : index
    %swap3A_51 = vector.load %arg6[%swap3A, %swap3A_50] : memref<10240x1xf32, #tpu.memory_space<vmem>>, vector<10240x1xf32>
    tpu.vector_store %arg6[%swap3A, %swap3A_50], %select_n3A {strides = array<i32>} : memref<10240x1xf32, #tpu.memory_space<vmem>>, vector<10240x1xf32>,
    %broadcast_in_dim3A_52 = arith.constant 0.000000e+00 : f32
    %broadcast_in_dim3A_53 = vector.broadcast %broadcast_in_dim3A_52 : f32 to vector<10240x128xf32>
    %swap3A_54 = arith.constant 0 : index
    %swap3A_55 = arith.constant 0 : index
    %swap3A_56 = vector.load %arg5[%swap3A_54, %swap3A_55] : memref<10240x128xf32, #tpu.memory_space<vmem>>, vector<10240x128xf32>
    tpu.vector_store %arg5[%swap3A_54, %swap3A_55], %broadcast_in_dim3A_53 {strides = array<i32>} : memref<10240x128xf32, #tpu.memory_space<vmem>>, vector<10240x128xf32>,
    %slice3A = vector.extract_strided_slice %select_n3A {offsets = [0, 0], sizes = [10000, 1], strides = [1, 1]} : vector<10240x1xf32> to vector<10000x1xf32>
    %mul3A_57 = vector.broadcast %slice3A : vector<10000x1xf32> to vector<10000x128xf32>
    %mul3A_58 = arith.mulf %dot_general3A_31, %mul3A_57 : vector<10000x128xf32>
    %swap3A_59 = arith.constant 0 : index
    %swap3A_60 = arith.constant 0 : index
    %swap3A_61 = vector.load %arg5[%swap3A_59, %swap3A_60] : memref<10240x128xf32, #tpu.memory_space<vmem>>, vector<10000x128xf32>
    tpu.vector_store %arg5[%swap3A_59, %swap3A_60], %mul3A_58 {strides = array<i32>} : memref<10240x128xf32, #tpu.memory_space<vmem>>, vector<10000x128xf32>,
    return
  }
}

module attributes {stable_mosaic.version = 14 : i64} {
  func.func @body(%arg0: memref<10000x128xf32, #tpu.memory_space<vmem>>, %arg1: memref<2x10240x128xf32, #tpu.memory_space<vmem>>, %arg2: memref<10240x1xf32, #tpu.memory_space<vmem>>, %arg3: memref<1x128xf32, #tpu.memory_space<vmem>>, %arg4: memref<10000x128xf32, #tpu.memory_space<vmem>>) attributes {dimension_semantics = [], scalar_prefetch = 0 : i64, scratch_operands = 0 : i64, tpu.core_type = #tpu.core_type<tc>} {
    %get3A = arith.constant 0 : index
    %get3A_0 = arith.constant 0 : index
    %get3A_1 = arith.constant 0 : index
    %get3A_2 = vector.load %arg1[%get3A, %get3A_0, %get3A_1] : memref<2x10240x128xf32, #tpu.memory_space<vmem>>, vector<1x10000x128xf32>
    %get3A_3 = vector.shape_cast %get3A_2 : vector<1x10000x128xf32> to vector<10000x128xf32>
    %get3A_4 = arith.constant 1 : index
    %get3A_5 = arith.constant 0 : index
    %get3A_6 = arith.constant 0 : index
    %get3A_7 = vector.load %arg1[%get3A_4, %get3A_5, %get3A_6] : memref<2x10240x128xf32, #tpu.memory_space<vmem>>, vector<1x10000x128xf32>
    %get3A_8 = vector.shape_cast %get3A_7 : vector<1x10000x128xf32> to vector<10000x128xf32>
    %add3A = arith.addf %get3A_3, %get3A_8 : vector<10000x128xf32>
    %get3A_9 = arith.constant 0 : index
    %get3A_10 = arith.constant 0 : index
    %get3A_11 = vector.load %arg0[%get3A_9, %get3A_10] : memref<10000x128xf32, #tpu.memory_space<vmem>>, vector<10000x128xf32>
    %get3A_12 = arith.constant 0 : index
    %get3A_13 = arith.constant 0 : index
    %get3A_14 = vector.load %arg2[%get3A_12, %get3A_13] : memref<10240x1xf32, #tpu.memory_space<vmem>>, vector<10000x1xf32>
    %mul3A = vector.broadcast %get3A_14 : vector<10000x1xf32> to vector<10000x128xf32>
    %mul3A_15 = arith.mulf %add3A, %mul3A : vector<10000x128xf32>
    %add3A_16 = arith.addf %get3A_11, %mul3A_15 : vector<10000x128xf32>
    %get3A_17 = arith.constant 0 : index
    %get3A_18 = arith.constant 0 : index
    %get3A_19 = vector.load %arg3[%get3A_17, %get3A_18] : memref<1x128xf32, #tpu.memory_space<vmem>>, vector<1x128xf32>
    %add3A_20 = vector.broadcast %get3A_19 : vector<1x128xf32> to vector<10000x128xf32>
    %add3A_21 = arith.addf %add3A_16, %add3A_20 : vector<10000x128xf32>
    %swap3A = arith.constant 0 : index
    %swap3A_22 = arith.constant 0 : index
    %swap3A_23 = vector.load %arg4[%swap3A, %swap3A_22] : memref<10000x128xf32, #tpu.memory_space<vmem>>, vector<10000x128xf32>
    tpu.vector_store %arg4[%swap3A, %swap3A_22], %add3A_21 {strides = array<i32>} : memref<10000x128xf32, #tpu.memory_space<vmem>>, vector<10000x128xf32>,
    return
  }
}

</mosaic_0001>

<sc_bundles>
// kernel: kernel.6.cloned.1.call-start
scs
__scs_entry_jumppad:
0x0: {  	(pc) =	sbr.rel $0x88, $3  }
0x1: {  	(tag) =	ssettag $0x0;
	lr =	simm.s32 $0x1  }
0x2: {  	[smem:$0x3F9B] =	sst lr;
	_ =	strace $0xD0000000  }
0x3: {  	_ = 	snop  }
0x4: {  	_ = 	snop  }
0x5: {  	_ = 	snop  }
0x6: {  	_ = 	snop  }
0x7: {  	_ = 	snop  }
__scs_overlays_trampoline_lowered:
0x8: {  	[smem:$0x3FAA] =	sst s0  }
0x9: {  	[smem:$0x3FAB] =	sst s1  }
0xa: {  	[smem:$0x3FAC] =	sst s2  }
0xb: {  	[smem:$0x3FAD] =	sst s3  }
0xc: {  	[smem:$0x3FAE] =	sst s4  }
0xd: {  	[smem:$0x3FAF] =	sst s5  }
0xe: {  	[smem:$0x3FB0] =	sst s6  }
0xf: {  	[smem:$0x3FB1] =	sst s7  }
0x10: {  	[smem:$0x3FB2] =	sst s8  }
0x11: {  	[smem:$0x3FB3] =	sst s9;
	s0 =	simm.s32 @!p0 $0x0  }
0x12: {  	s1 =	sld [smem:$0x3F99];
	s0 =	simm.s32 @p0 $0x1  }
0x13: {  	[smem:$0x3FB4] =	sst s0;
	s0 =	simm.s32 @!p1 $0x0  }
0x14: {  	s2 =	sld [smem:$0x3F98];
	s0 =	simm.s32 @p1 $0x1  }
0x15: {  	[smem:$0x3FB5] =	sst s0;
	s0 =	simm.s32 @!p2 $0x0  }
0x16: {  	s3 =	sld [smem:$0x3FDB];
	s0 =	simm.s32 @p2 $0x1  }
0x17: {  	s4 =	simm.s32 $0x1BF5;
	[smem:$0x3FB7] =	sst s0  }
0x18: {  	s0 =	sld [smem:$0x3F9A];
	_ =	swait.ge [sflag:s4], $0x0  }
0x19: {  	s7 =	sld [smem:$0x3F9B]  }
0x1a: {  	s8 =	sadd.s32 $0xFFFFE003, lr  }
0x1b: {  	s9 =	sadd.s32 $0xFFFFFEF7, lr;
	s5 =	simm.s32 $0xFFFFFFFF;
	p2 =	slt.u32 s8, $0xFFFFF086  }
0x1c: {  	p1 =	slt.u32 s9, $0xF7A;
	s5 =	simm.s32 @!p2 $0x0  }
0x1d: {  	s5 =	simm.s32 @p1 $0x1;
	p0 =	seq.s32 s7, s2  }
0x1e: {  	s7 =	smul.u32 @!p0 $0xF7A, s2;
	p2 =	seq.s32 @!p0 s5, $0x0  }
0x1f: {  	s9 =	smul.u32 $0xF7A, s1;
	s8 =	simm.s32 @!p0 $0x1BF5;
	p2 =	por !p2, p0  }
0x20: {  	[sflag:s8] =	ssyncset.s32 @!p0 $0xFFFFF086;
	s6 =	sadd.s32 @!p0 s3, s7;
	s7 =	simm.s32 @!p0 $0x108  }
0x21: {  	s3 =	sadd.s32 s3, s9;
	s6 =	sadd.s32 @!p0 $0x88, s6;
	s7 =	simm.s32 @p2 $0x1082  }
0x22: {  	[simem:s7], [sflag:s8] =	dma.local @!p0 [hbm:s6], $0xF7A  }
0x23: {  	s9 =	sor.u32 $0xD0000000, s2;
	s6 =	simm.s32 $0x108;
	_ =	swait.ge @!p0 [sflag:s8], $0x0  }
0x24: {  	s3 =	sadd.s32 $0x88, s3;
	s6 =	simm.s32 @!p1 $0x1082;
	[sflag:s4] =	ssyncset.s32 $0xFFFFF086  }
0x25: {  	[simem:s6], [sflag:s4] =	dma.local [hbm:s3], $0xF7A  }
0x26: {  	[smem:$0x3F9B] =	sst s1;
	(tag) =	ssettag s2;
	_ =	strace s9  }
0x27: {  	s1 =	sld [smem:$0x3FAB]  }
0x28: {  	s2 =	sld [smem:$0x3FAC]  }
0x29: {  	s4 =	sld [smem:$0x3FAE]  }
0x2a: {  	p0 =	seq.s32 s5, $0x0;
	s5 =	sld [smem:$0x3FAF]  }
0x2b: {  	s6 =	sld [smem:$0x3FB0]  }
0x2c: {  	s7 =	sld [smem:$0x3FB1]  }
0x2d: {  	s3 =	simm.s32 $0x108;
	s8 =	sld [smem:$0x3FB2]  }
0x2e: {  	s3 =	simm.s32 @!p0 $0x1082;
	s9 =	sld [smem:$0x3FB3]  }
0x2f: {  	lr =	sadd.s32 s0, s3;
	s0 =	sld [smem:$0x3FAA]  }
0x30: {  	s3 =	sld [smem:$0x3FAD]  }
0x31: {  	[smem:$0x3FB6] =	sst s10  }
0x32: {  	s10 =	sld [smem:$0x3FB4];
	_ =	sdelay $0x3  }
0x33: {  	p0 =	seq.s32 s10, $0x1;
	s10 =	sld [smem:$0x3FB6];
	_ =	sdelay $0x3  }
0x34: {  	[smem:$0x3FB6] =	sst s10  }
0x35: {  	s10 =	sld [smem:$0x3FB5];
	_ =	sdelay $0x3  }
0x36: {  	p1 =	seq.s32 s10, $0x1;
	s10 =	sld [smem:$0x3FB6];
	_ =	sdelay $0x3  }
0x37: {  	[smem:$0x3FB6] =	sst s10  }
0x38: {  	s10 =	sld [smem:$0x3FB7]  }
0x39: {  	_ = 	snop;
	(pc) =	sbr.ind lr, $3  }
0x3a: {  	_ = 	snop  }
0x3b: {  	_ = 	snop  }
0x3c: {  	p2 =	seq.s32 s10, $0x1;
	s10 =	sld [smem:$0x3FB6]  }
0x3d: {  	_ =	shalt  }
0x3e: {  	_ =	shalt  }
0x3f: {  	_ =	shalt  }
0x40: {  	_ =	shalt  }
0x41: {  	_ =	shalt  }
0x42: {  	_ =	shalt  }
0x43: {  	_ =	shalt  }
0x44: {  	_ =	shalt  }
0x45: {  	_ =	shalt  }
0x46: {  	_ =	shalt  }
0x47: {  	_ =	shalt  }
0x48: {  	_ =	shalt  }
0x49: {  	_ =	shalt  }
0x4a: {  	_ =	shalt  }
0x4b: {  	_ =	shalt  }
0x4c: {  	_ =	shalt  }
0x4d: {  	_ =	shalt  }
0x4e: {  	_ =	shalt  }
0x4f: {  	_ =	shalt  }
0x50: {  	_ =	shalt  }
0x51: {  	_ =	shalt  }
0x52: {  	_ =	shalt  }
0x53: {  	_ =	shalt  }
0x54: {  	_ =	shalt  }
0x55: {  	_ =	shalt  }
0x56: {  	_ =	shalt  }
0x57: {  	_ =	shalt  }
0x58: {  	_ =	shalt  }
0x59: {  	_ =	shalt  }
0x5a: {  	_ =	shalt  }
0x5b: {  	_ =	shalt  }
0x5c: {  	_ =	shalt  }
0x5d: {  	_ =	shalt  }
0x5e: {  	_ =	shalt  }
0x5f: {  	_ =	shalt  }
0x60: {  	_ =	shalt  }
0x61: {  	_ =	shalt  }
0x62: {  	_ =	shalt  }
0x63: {  	_ =	shalt  }
0x64: {  	_ =	shalt  }
0x65: {  	_ =	shalt  }
0x66: {  	_ =	shalt  }
0x67: {  	_ =	shalt  }
0x68: {  	_ =	shalt  }
0x69: {  	_ =	shalt  }
0x6a: {  	_ =	shalt  }
0x6b: {  	_ =	shalt  }
0x6c: {  	_ =	shalt  }
0x6d: {  	_ =	shalt  }
0x6e: {  	_ =	shalt  }
0x6f: {  	_ =	shalt  }
0x70: {  	_ =	shalt  }
0x71: {  	_ =	shalt  }
0x72: {  	_ =	shalt  }
0x73: {  	_ =	shalt  }
0x74: {  	_ =	shalt  }
0x75: {  	_ =	shalt  }
0x76: {  	_ =	shalt  }
0x77: {  	_ =	shalt  }
0x78: {  	_ =	shalt  }
0x79: {  	_ =	shalt  }
0x7a: {  	_ =	shalt  }
0x7b: {  	_ =	shalt  }
0x7c: {  	_ =	shalt  }
0x7d: {  	_ =	shalt  }
0x7e: {  	_ =	shalt  }
0x7f: {  	_ =	shalt  }
0x80: {  	_ =	shalt  }
0x81: {  	_ =	shalt  }
0x82: {  	_ =	shalt  }
0x83: {  	_ =	shalt  }
0x84: {  	_ =	shalt  }
0x85: {  	_ =	shalt  }
0x86: {  	_ =	shalt  }
0x87: {  	_ =	shalt  }
.Lfunc_end0:
.L_simem_size_0:
called_computation_lowered:
.L_overlay_start_0:
0x88: {  	s2 =	sld [smem:$0x3FD9]  }
0x89: {  	s3 =	sld [smem:$0x3FFE];
	_ =	sdelay $0x1  }
0x8a: {  	s1 =	srdreg.scid  }
0x8b: {  	s0 =	sand.u32 $0x1, s1  }
0x8c: {  	s16 =	sshll.u32 s0, $0xA;
	s2 =	sadd.s32 s3, s2  }
0x8d: {  	s2 =	sadd.s32 s2, s16  }
0x8e: {  	[smem:$0x3FC2] =	sst s2  }
0x8f: {  	_ = 	snop  }
0x90: {  	(tm) =	ssettm $0x1  }
0x91: {  	s17 =	sld [smem:$0x3FFB];
	_ =	sdelay $0x3  }
0x92: {  	_ =	strace s17  }
0x93: {  	s2 =	sld [smem:$0x3FFC];
	_ =	sdelay $0x3  }
0x94: {  	_ =	strace s2  }
0x95: {  	s2 =	sld [smem:$0x3FFD];
	_ =	sdelay $0x3  }
0x96: {  	_ =	strace s2  }
0x97: {  	_ =	strace $0x8FFFFFFF  }
0x98: {  	s18 =	sld [smem:$0x3FDB];
	_ =	sdelay $0x1  }
0x99: {  	s19 =	simm.s32 $_scs_section_size  }
0x9a: {  	s4 =	simm.s32 $_size__tile_overlayer_lowered;
	s5 =	simm.s32 $_tile_overlayer_lowered  }
0x9b: {  	s22 =	simm.s32 $0x1BFF;
	s21 =	sshll.u32 s5, $0x1;
	s2 =	sadd.s32 s19, s18  }
0x9c: {  	s6 =	simm.s32 $0x0;
	s20 =	sshll.u32 s4, $0x1;
	s4 =	sadd.s32 s21, s2  }
0x9d: {  	[timem:s6], [sflag:s22] =	dma.local [hbm:s4], s20  }
0x9e: {  	_ =	swait.ge [sflag:s22], s20  }
0x9f: {  	s3 =	ssub.s32 $0x0, s20;
	[sflag:s22] =	ssyncset.done $0x0  }
0xa0: {  	[sflag:s22] =	ssyncadd.s32 s3;
	_ =	sdelay $0x1  }
0xa1: {  	s23 =	simm.s32 $0x1B8B  }
0xa2: {  	_ =	swait.ge [sflag:s23], $0x1  }
0xa3: {  	[sflag:s23] =	ssyncset.done $0x0  }
0xa4: {  	s25 =	simm.s32 $0x1B8E;
	s24 =	sld [smem:$0x3FFE];
	[sflag:s23] =	ssyncadd.s32 $0xFFFFFFFF  }
0xa5: {  	s26 =	simm.s32 $execute0_lowered;
	[smem:$0x3FD2] =	sst s25  }
0xa6: {  	s4 =	sshll.u32 s26, $0x1;
	_ =	strace $0x80000046;
	[dreg:$0x1] =	wrdreg $0xFFFFFFFF  }
0xa7: {  	s28 =	simm.s32 $_size_execute0_lowered;
	s2 =	sadd.s32 s2, s4;
	[dreg:$0x0] =	wrdreg $0x0  }
0xa8: {  	s4 =	sshll.u32 s28, $0x1;
	[dreg:$0x2] =	wrdreg s2  }
0xa9: {  	[dreg:$0x3] =	wrdreg s4  }
0xaa: {  	[dreg:$0x4] =	wrdreg $0xC0  }
0xab: {  	_ =	task [dreg:s6], $0x5FFFF  }
0xac: {  	[dreg:$0x1] =	wrdreg $0xFFFFFFFF  }
0xad: {  	[dreg:$0x0] =	wrdreg $0x60  }
0xae: {  	[dreg:$0x2] =	wrdreg s24  }
0xaf: {  	[dreg:$0x3] =	wrdreg $0x0  }
0xb0: {  	[dreg:$0x4] =	wrdreg $0x9  }
0xb1: {  	_ =	task.clear_ibuf [dreg:s6], $0x5FFFF;
	_ =	strace $0x90000046  }
0xb2: {  	s29 =	simm.s32 $0x9;
	_ =	strace $0x80000048  }
0xb3: {  	_ =	swait.ge [sflag:s29], $0x1  }
0xb4: {  	[sflag:s29] =	ssyncadd.s32 $0xFFFFFFFF  }
0xb5: {  	_ =	strace $0x90000048  }
0xb6: {  	_ =	sfence  }
0xb7: {  	s30 =	sld [smem:$0x0];
	_ =	sdelay $0x2  }
0xb8: {  	s31 =	sshll.u32 s1, $0xD;
	s1 =	sshrl.u32 s1, $0x2  }
0xb9: {  	s3 =	sand.u32 $0x4000, s31;
	s1 =	sadd.s32 s1, s30  }
0xba: {  	s0 =	sor.u32 s3, s0;
	s1 =	sshll.u32 s1, $0x11  }
0xbb: {  	s0 =	sor.u32 s1, s0  }
0xbc: {  	s0 =	sadd.s32 $0x8F2B, s0  }
0xbd: {  	[sflag:s0] =	ssyncadd.remote.s32 $0x1  }
0xbe: {  	_ =	sfence.sel $0xFFFF  }
0xbf: {  	[dreg:$0x0] =	wrdreg $0xFFFFFFFF;
	(pc) =	sbr.abs _section_cstart, $3  }
0xc0: {  	[dreg:$0x1] =	wrdreg $0xFFFFFFFF  }
0xc1: {  	_ =	task.clear_ibuf [dreg:s6], $0x2FFFF;
	_ =	strace $0x9FFFFFFF  }
0xc2: {  	(tm) =	ssettm $0x7FFFFFFF  }
0xc3: {  	_ =	shalt  }
tec
execute0_lowered:
.L_overlay_start_1:
0x0: {  	(tag) =	ssettag $0x1  }
0x1: {  	s13 =	rddreg [dreg:$0x0]  }
0x2: {  	s2 =	rddreg [dreg:$0x1]  }
0x3: {  	s0 =	rddreg [dreg:$0x2]  }
0x4: {  	s4 =	srdreg.scid;
	s1 =	stileid.u32;
	s3 =	simm.s32 $0x0  }
0x5: {  	s6 =	simm.s32 $0x2A80;
	s14 =	sand.u32 $0x1, s4;
	s30 =	sshll.u32 s1, $0x1  }
0x6: {  	s5 =	simm.s32 $0x1;
	[smem:$0x7FF] =	sst s3;
	s4 =	sor.u32 s14, s30  }
0x7: {  	_ =	strace $0x80000047;
	s7 =	smul.u32 $0x500, s4;
	s4 =	sadd.s32 $0xBA00, s13  }
0x8: {  	[tilespmem:s6], [sflag:$0x1] =	stream.linear.gather [hbm4b:s4+s3], $0x2800, $0x38;
	[tilespmem:$0x5500] =	vst v63  }
0x9: {  	_ =	swait.ge [sflag:s5], $0x2800  }
0xa: {  	s7 =	sadd.s32 s7, s13;
	[sflag:s5] =	ssyncset.done $0x0  }
0xb: {  	s8 =	simm.s32 $0x280;
	s7 =	sadd.s32 $0x1800, s7;
	[sflag:s5] =	ssyncadd.s32 $0xFFFFD800  }
0xc: {  	[tilespmem:s8], [sflag:$0x1] =	stream.linear.gather [hbm4b:s7+s3], $0x2800, $0x38;
	[tilespmem:$0x5500] =	vst v63  }
0xd: {  	_ =	swait.ge [sflag:s5], $0x2800  }
0xe: {  	[sflag:s5] =	ssyncset.done $0x0  }
0xf: {  	s10 =	simm.s32 $0x5280;
	s9 =	sadd.s32 $0xB800, s13;
	[sflag:s5] =	ssyncadd.s32 $0xFFFFD800  }
0x10: {  	[tilespmem:s10], [sflag:$0x1] =	stream.linear.gather [hbm4b:s9+s3], $0x280, $0x38;
	[tilespmem:$0x5500] =	vst v63  }
0x11: {  	s15 =	smul.u32 $0x280, s1;
	_ =	swait.ge [sflag:s5], $0x280  }
0x12: {  	[sflag:s5] =	ssyncset.done $0x0  }
0x13: {  	s11 =	sadd.s32 s15, s2;
	[sflag:s5] =	ssyncadd.s32 $0xFFFFFD80  }
0x14: {  	[spmem:s11] =	stream.linear.scatter [tilespmem:s10], [sflag:$0x1], $0x280, $0x38;
	[tilespmem:$0x5500] =	vst v63  }
0x15: {  	_ =	swait.ge [sflag:s5], $0x280  }
0x16: {  	[sflag:s5] =	ssyncset.done $0x0  }
0x17: {  	[sflag:s5] =	ssyncadd.s32 $0xFFFFFD80  }
0x18: {  	s12 =	simm.s32 $0x2800;
	[bflag:$0x0] =	sbarrier.arrive $0xFFFF  }
0x19: {  	[spmem:s2] =	stream.indirect.scatter.add.f32 [tilespmem:s6], [sflag:$0x1], $0x1, s8, s12, $0xb8;
	[tilespmem:$0x5500] =	vst v63  }
0x1a: {  	s16 =	smul.u32 $0x2800, s14;
	s14 =	ssub.s32 $0x2, s14;
	_ =	swait.ge [sflag:s5], $0x2800  }
0x1b: {  	s31 =	sshrl.u32 s14, $0x1;
	[sflag:s5] =	ssyncset.done $0x0  }
0x1c: {  	s14 =	ssub.s32 s14, s31;
	[sflag:s5] =	ssyncadd.s32 $0xFFFFD800  }
0x1d: {  	s15 =	sadd.s32 s15, s16;
	s14 =	smax.u32 s14, $0x1;
	[bflag:$0x0] =	sbarrier.arrive $0xFFFF  }
0x1e: {  	[tilespmem:s10], [sflag:$0x1] =	stream.linear.gather [spmem:s11], $0x280, $0x38;
	[tilespmem:$0x5500] =	vst v63  }
0x1f: {  	s15 =	sshrl.u32 s15, $0x3;
	p0 =	sne.s32 s14, $0x1;
	_ =	swait.ge [sflag:s5], $0x280  }
.Ltmp0:
0x20: {  	s13 =	sadd.s32 s15, s13;
	[sflag:s5] =	ssyncset.done $0x0;
	(pc) =	sbr.rel @!p0 .LBB2_2-.Ltmp0, $4  }
0x21: {  	s13 =	sadd.s32 $0xC000, s13;
	[sflag:s5] =	ssyncadd.s32 $0xFFFFFD80  }
0x22: {  	[hbm4b:s13+s3] =	stream.linear.scatter [tilespmem:s10], [sflag:$0x1], $0x280, $0x38;
	[tilespmem:$0x5500] =	vst v63  }
0x23: {  	_ =	swait.ge [sflag:s5], $0x280  }
0x24: {  	s14 =	sadd.s32 $0xFFFFFFFF, s14;
	[sflag:s5] =	ssyncset.done $0x0  }
.LBB2_1:
0x25: {  	p0 =	sne.s32 s14, $0x1;
	s14 =	sadd.s32 $0xFFFFFFFF, s14;
	[sflag:s5] =	ssyncadd.s32 $0xFFFFFD80  }
0x26: {  	[tilespmem:s6], [sflag:$0x1] =	stream.linear.gather [hbm4b:s4+s3], $0x2800, $0x38;
	[tilespmem:$0x5500] =	vst v63  }
0x27: {  	_ =	swait.ge [sflag:s5], $0x2800  }
0x28: {  	[sflag:s5] =	ssyncset.done $0x0  }
0x29: {  	[sflag:s5] =	ssyncadd.s32 $0xFFFFD800  }
0x2a: {  	[tilespmem:s8], [sflag:$0x1] =	stream.linear.gather [hbm4b:s7+s3], $0x2800, $0x38;
	[tilespmem:$0x5500] =	vst v63  }
0x2b: {  	_ =	swait.ge [sflag:s5], $0x2800  }
0x2c: {  	[sflag:s5] =	ssyncset.done $0x0  }
0x2d: {  	[sflag:s5] =	ssyncadd.s32 $0xFFFFD800  }
0x2e: {  	[tilespmem:s10], [sflag:$0x1] =	stream.linear.gather [hbm4b:s9+s3], $0x280, $0x38;
	[tilespmem:$0x5500] =	vst v63  }
0x2f: {  	_ =	swait.ge [sflag:s5], $0x280  }
0x30: {  	[sflag:s5] =	ssyncset.done $0x0  }
0x31: {  	[sflag:s5] =	ssyncadd.s32 $0xFFFFFD80  }
0x32: {  	[spmem:s11] =	stream.linear.scatter [tilespmem:s10], [sflag:$0x1], $0x280, $0x38;
	[tilespmem:$0x5500] =	vst v63  }
0x33: {  	_ =	swait.ge [sflag:s5], $0x280  }
0x34: {  	[sflag:s5] =	ssyncset.done $0x0  }
0x35: {  	[sflag:s5] =	ssyncadd.s32 $0xFFFFFD80  }
0x36: {  	[bflag:$0x0] =	sbarrier.arrive $0xFFFF  }
0x37: {  	[spmem:s2] =	stream.indirect.scatter.add.f32 [tilespmem:s6], [sflag:$0x1], $0x1, s8, s12, $0xb8;
	[tilespmem:$0x5500] =	vst v63  }
0x38: {  	_ =	swait.ge [sflag:s5], $0x2800  }
0x39: {  	[sflag:s5] =	ssyncset.done $0x0  }
0x3a: {  	[sflag:s5] =	ssyncadd.s32 $0xFFFFD800  }
0x3b: {  	[bflag:$0x0] =	sbarrier.arrive $0xFFFF  }
0x3c: {  	[tilespmem:s10], [sflag:$0x1] =	stream.linear.gather [spmem:s11], $0x280, $0x38;
	[tilespmem:$0x5500] =	vst v63  }
0x3d: {  	_ =	swait.ge [sflag:s5], $0x280  }
.Ltmp1:
0x3e: {  	[sflag:s5] =	ssyncset.done $0x0;
	(pc) =	sbr.rel @p0 .LBB2_1-.Ltmp1, $4  }
0x3f: {  	[sflag:s5] =	ssyncadd.s32 $0xFFFFFD80  }
0x40: {  	[hbm4b:s13+s3] =	stream.linear.scatter [tilespmem:s10], [sflag:$0x1], $0x280, $0x38;
	[tilespmem:$0x5500] =	vst v63  }
0x41: {  	_ =	swait.ge [sflag:s5], $0x280  }
0x42: {  	[sflag:s5] =	ssyncset.done $0x0  }
.LBB2_2:
0x43: {  	[sflag:s5] =	ssyncadd.s32 $0xFFFFFD80  }
0x44: {  	_ =	sfence.sel $0x180000  }
0x45: {  	[bflag:$0x0] =	sbarrier.arrive $0xFFFF  }
0x46: {  	p0 =	sne.s32 s1, $0x0;
	_ =	strace $0x90000047  }
0x47: {  	s0 =	sadd.s32 @!p0 $0x100000, s0;
	[bflag:$0x2] =	sbarrier.arrive $0xFFFF  }
0x48: {  	[sflag:s0] =	ssyncadd.tile.s32 @!p0 $0x1;
	_ =	shalt  }
.Lfunc_end2:
_tile_overlayer_lowered:
.L_overlay_start_2:
0x49: {  	(tag) =	ssettag $0x2  }
0x4a: {  	s0 =	rddreg [dreg:$0x0];
	s2 =	stileid.u32  }
0x4b: {  	s1 =	rddreg [dreg:$0x1];
	p0 =	sne.s32 s2, $0x0  }
0x4c: {  	s3 =	rddreg [dreg:$0x2];
	[bflag:$0x3] =	sbarrier.arrive $0xFFFF;
	s2 =	simm.s32 @!p0 $0x1C01  }
0x4d: {  	[timem:s3], [sflag:s2] =	dma.local @!p0 [hbm:s0], s1  }
0x4e: {  	s0 =	simm.s32 @!p0 $0x1  }
0x4f: {  	_ =	swait.ge @!p0 [sflag:s0], s1  }
0x50: {  	s1 =	ssub.s32 @!p0 $0x0, s1;
	[sflag:s0] =	ssyncset.done @!p0 $0x0  }
0x51: {  	[sflag:s0] =	ssyncadd.s32 @!p0 s1  }
0x52: {  	[bflag:$0x3] =	sbarrier.arrive $0xFFFF  }
0x53: {  	_ =	shalt  }

// kernel: kernel.9.cloned.1.call-start
scs
__scs_entry_jumppad:
0x0: {  	(pc) =	sbr.rel $0x88, $3  }
0x1: {  	(tag) =	ssettag $0x0;
	lr =	simm.s32 $0x1  }
0x2: {  	[smem:$0x3F9B] =	sst lr;
	_ =	strace $0xD0000000  }
0x3: {  	_ = 	snop  }
0x4: {  	_ = 	snop  }
0x5: {  	_ = 	snop  }
0x6: {  	_ = 	snop  }
0x7: {  	_ = 	snop  }
__scs_overlays_trampoline_lowered:
0x8: {  	[smem:$0x3FAA] =	sst s0  }
0x9: {  	[smem:$0x3FAB] =	sst s1  }
0xa: {  	[smem:$0x3FAC] =	sst s2  }
0xb: {  	[smem:$0x3FAD] =	sst s3  }
0xc: {  	[smem:$0x3FAE] =	sst s4  }
0xd: {  	[smem:$0x3FAF] =	sst s5  }
0xe: {  	[smem:$0x3FB0] =	sst s6  }
0xf: {  	[smem:$0x3FB1] =	sst s7  }
0x10: {  	[smem:$0x3FB2] =	sst s8  }
0x11: {  	[smem:$0x3FB3] =	sst s9;
	s0 =	simm.s32 @!p0 $0x0  }
0x12: {  	s1 =	sld [smem:$0x3F99];
	s0 =	simm.s32 @p0 $0x1  }
0x13: {  	[smem:$0x3FB4] =	sst s0;
	s0 =	simm.s32 @!p1 $0x0  }
0x14: {  	s2 =	sld [smem:$0x3F98];
	s0 =	simm.s32 @p1 $0x1  }
0x15: {  	[smem:$0x3FB5] =	sst s0;
	s0 =	simm.s32 @!p2 $0x0  }
0x16: {  	s3 =	sld [smem:$0x3FDB];
	s0 =	simm.s32 @p2 $0x1  }
0x17: {  	s4 =	simm.s32 $0x1BF5;
	[smem:$0x3FB7] =	sst s0  }
0x18: {  	s0 =	sld [smem:$0x3F9A];
	_ =	swait.ge [sflag:s4], $0x0  }
0x19: {  	s7 =	sld [smem:$0x3F9B]  }
0x1a: {  	s8 =	sadd.s32 $0xFFFFE003, lr  }
0x1b: {  	s9 =	sadd.s32 $0xFFFFFEF7, lr;
	s5 =	simm.s32 $0xFFFFFFFF;
	p2 =	slt.u32 s8, $0xFFFFF086  }
0x1c: {  	p1 =	slt.u32 s9, $0xF7A;
	s5 =	simm.s32 @!p2 $0x0  }
0x1d: {  	s5 =	simm.s32 @p1 $0x1;
	p0 =	seq.s32 s7, s2  }
0x1e: {  	s7 =	smul.u32 @!p0 $0xF7A, s2;
	p2 =	seq.s32 @!p0 s5, $0x0  }
0x1f: {  	s9 =	smul.u32 $0xF7A, s1;
	s8 =	simm.s32 @!p0 $0x1BF5;
	p2 =	por !p2, p0  }
0x20: {  	[sflag:s8] =	ssyncset.s32 @!p0 $0xFFFFF086;
	s6 =	sadd.s32 @!p0 s3, s7;
	s7 =	simm.s32 @!p0 $0x108  }
0x21: {  	s3 =	sadd.s32 s3, s9;
	s6 =	sadd.s32 @!p0 $0x88, s6;
	s7 =	simm.s32 @p2 $0x1082  }
0x22: {  	[simem:s7], [sflag:s8] =	dma.local @!p0 [hbm:s6], $0xF7A  }
0x23: {  	s9 =	sor.u32 $0xD0000000, s2;
	s6 =	simm.s32 $0x108;
	_ =	swait.ge @!p0 [sflag:s8], $0x0  }
0x24: {  	s3 =	sadd.s32 $0x88, s3;
	s6 =	simm.s32 @!p1 $0x1082;
	[sflag:s4] =	ssyncset.s32 $0xFFFFF086  }
0x25: {  	[simem:s6], [sflag:s4] =	dma.local [hbm:s3], $0xF7A  }
0x26: {  	[smem:$0x3F9B] =	sst s1;
	(tag) =	ssettag s2;
	_ =	strace s9  }
0x27: {  	s1 =	sld [smem:$0x3FAB]  }
0x28: {  	s2 =	sld [smem:$0x3FAC]  }
0x29: {  	s4 =	sld [smem:$0x3FAE]  }
0x2a: {  	p0 =	seq.s32 s5, $0x0;
	s5 =	sld [smem:$0x3FAF]  }
0x2b: {  	s6 =	sld [smem:$0x3FB0]  }
0x2c: {  	s7 =	sld [smem:$0x3FB1]  }
0x2d: {  	s3 =	simm.s32 $0x108;
	s8 =	sld [smem:$0x3FB2]  }
0x2e: {  	s3 =	simm.s32 @!p0 $0x1082;
	s9 =	sld [smem:$0x3FB3]  }
0x2f: {  	lr =	sadd.s32 s0, s3;
	s0 =	sld [smem:$0x3FAA]  }
0x30: {  	s3 =	sld [smem:$0x3FAD]  }
0x31: {  	[smem:$0x3FB6] =	sst s10  }
0x32: {  	s10 =	sld [smem:$0x3FB4];
	_ =	sdelay $0x3  }
0x33: {  	p0 =	seq.s32 s10, $0x1;
	s10 =	sld [smem:$0x3FB6];
	_ =	sdelay $0x3  }
0x34: {  	[smem:$0x3FB6] =	sst s10  }
0x35: {  	s10 =	sld [smem:$0x3FB5];
	_ =	sdelay $0x3  }
0x36: {  	p1 =	seq.s32 s10, $0x1;
	s10 =	sld [smem:$0x3FB6];
	_ =	sdelay $0x3  }
0x37: {  	[smem:$0x3FB6] =	sst s10  }
0x38: {  	s10 =	sld [smem:$0x3FB7]  }
0x39: {  	_ = 	snop;
	(pc) =	sbr.ind lr, $3  }
0x3a: {  	_ = 	snop  }
0x3b: {  	_ = 	snop  }
0x3c: {  	p2 =	seq.s32 s10, $0x1;
	s10 =	sld [smem:$0x3FB6]  }
0x3d: {  	_ =	shalt  }
0x3e: {  	_ =	shalt  }
0x3f: {  	_ =	shalt  }
0x40: {  	_ =	shalt  }
0x41: {  	_ =	shalt  }
0x42: {  	_ =	shalt  }
0x43: {  	_ =	shalt  }
0x44: {  	_ =	shalt  }
0x45: {  	_ =	shalt  }
0x46: {  	_ =	shalt  }
0x47: {  	_ =	shalt  }
0x48: {  	_ =	shalt  }
0x49: {  	_ =	shalt  }
0x4a: {  	_ =	shalt  }
0x4b: {  	_ =	shalt  }
0x4c: {  	_ =	shalt  }
0x4d: {  	_ =	shalt  }
0x4e: {  	_ =	shalt  }
0x4f: {  	_ =	shalt  }
0x50: {  	_ =	shalt  }
0x51: {  	_ =	shalt  }
0x52: {  	_ =	shalt  }
0x53: {  	_ =	shalt  }
0x54: {  	_ =	shalt  }
0x55: {  	_ =	shalt  }
0x56: {  	_ =	shalt  }
0x57: {  	_ =	shalt  }
0x58: {  	_ =	shalt  }
0x59: {  	_ =	shalt  }
0x5a: {  	_ =	shalt  }
0x5b: {  	_ =	shalt  }
0x5c: {  	_ =	shalt  }
0x5d: {  	_ =	shalt  }
0x5e: {  	_ =	shalt  }
0x5f: {  	_ =	shalt  }
0x60: {  	_ =	shalt  }
0x61: {  	_ =	shalt  }
0x62: {  	_ =	shalt  }
0x63: {  	_ =	shalt  }
0x64: {  	_ =	shalt  }
0x65: {  	_ =	shalt  }
0x66: {  	_ =	shalt  }
0x67: {  	_ =	shalt  }
0x68: {  	_ =	shalt  }
0x69: {  	_ =	shalt  }
0x6a: {  	_ =	shalt  }
0x6b: {  	_ =	shalt  }
0x6c: {  	_ =	shalt  }
0x6d: {  	_ =	shalt  }
0x6e: {  	_ =	shalt  }
0x6f: {  	_ =	shalt  }
0x70: {  	_ =	shalt  }
0x71: {  	_ =	shalt  }
0x72: {  	_ =	shalt  }
0x73: {  	_ =	shalt  }
0x74: {  	_ =	shalt  }
0x75: {  	_ =	shalt  }
0x76: {  	_ =	shalt  }
0x77: {  	_ =	shalt  }
0x78: {  	_ =	shalt  }
0x79: {  	_ =	shalt  }
0x7a: {  	_ =	shalt  }
0x7b: {  	_ =	shalt  }
0x7c: {  	_ =	shalt  }
0x7d: {  	_ =	shalt  }
0x7e: {  	_ =	shalt  }
0x7f: {  	_ =	shalt  }
0x80: {  	_ =	shalt  }
0x81: {  	_ =	shalt  }
0x82: {  	_ =	shalt  }
0x83: {  	_ =	shalt  }
0x84: {  	_ =	shalt  }
0x85: {  	_ =	shalt  }
0x86: {  	_ =	shalt  }
0x87: {  	_ =	shalt  }
.Lfunc_end0:
.L_simem_size_0:
called_computation.1_lowered:
.L_overlay_start_0:
0x88: {  	s2 =	sld [smem:$0x3FD9]  }
0x89: {  	s3 =	sld [smem:$0x3FFE];
	_ =	sdelay $0x1  }
0x8a: {  	s1 =	srdreg.scid  }
0x8b: {  	s0 =	sand.u32 $0x1, s1  }
0x8c: {  	s17 =	sshll.u32 s0, $0xA;
	s2 =	sadd.s32 s3, s2  }
0x8d: {  	s2 =	sadd.s32 s2, s17  }
0x8e: {  	[smem:$0x3FC2] =	sst s2  }
0x8f: {  	_ = 	snop  }
0x90: {  	s2 =	sld [smem:$0x3FD0];
	(tm) =	ssettm $0x1  }
0x91: {  	s18 =	sld [smem:$0x3FFB];
	_ =	sdelay $0x3  }
0x92: {  	_ =	strace s18  }
0x93: {  	s3 =	sld [smem:$0x3FFC];
	_ =	sdelay $0x3  }
0x94: {  	_ =	strace s3  }
0x95: {  	s3 =	sld [smem:$0x3FFD];
	_ =	sdelay $0x3  }
0x96: {  	_ =	strace s3  }
0x97: {  	_ =	strace $0x8FFFFFFF  }
0x98: {  	s19 =	sld [smem:$0x3FDB];
	_ =	sdelay $0x1  }
0x99: {  	s4 =	simm.s32 $_scs_section_size  }
0x9a: {  	s5 =	simm.s32 $_size__tile_overlayer_lowered;
	s6 =	simm.s32 $_tile_overlayer_lowered  }
0x9b: {  	s22 =	simm.s32 $0x1BFF;
	s21 =	sshll.u32 s6, $0x1;
	s3 =	sadd.s32 s4, s19  }
0x9c: {  	s7 =	simm.s32 $0x0;
	s20 =	sshll.u32 s5, $0x1;
	s5 =	sadd.s32 s21, s3  }
0x9d: {  	[timem:s7], [sflag:s22] =	dma.local [hbm:s5], s20  }
0x9e: {  	_ =	swait.ge [sflag:s22], s20  }
0x9f: {  	s4 =	ssub.s32 $0x0, s20;
	[sflag:s22] =	ssyncset.done $0x0  }
0xa0: {  	[sflag:s22] =	ssyncadd.s32 s4;
	_ =	sdelay $0x1  }
0xa1: {  	s23 =	simm.s32 $0x1B8B  }
0xa2: {  	_ =	swait.ge [sflag:s23], $0x1  }
0xa3: {  	[sflag:s23] =	ssyncset.done $0x0  }
0xa4: {  	s25 =	simm.s32 $0x1B8E;
	s24 =	sld [smem:$0x3FFE];
	[sflag:s23] =	ssyncadd.s32 $0xFFFFFFFF  }
0xa5: {  	s26 =	simm.s32 $execute0_lowered;
	[smem:$0x3FD2] =	sst s25  }
0xa6: {  	s5 =	sshll.u32 s26, $0x1;
	_ =	strace $0x80000049;
	[dreg:$0x1] =	wrdreg $0xFFFFFFFF  }
0xa7: {  	s28 =	simm.s32 $_size_execute0_lowered;
	s3 =	sadd.s32 s3, s5;
	[dreg:$0x0] =	wrdreg $0x0  }
0xa8: {  	s5 =	sshll.u32 s28, $0x1;
	[dreg:$0x2] =	wrdreg s3  }
0xa9: {  	[dreg:$0x3] =	wrdreg s5  }
0xaa: {  	[dreg:$0x4] =	wrdreg $0xC0  }
0xab: {  	_ =	task [dreg:s7], $0x5FFFF  }
0xac: {  	[dreg:$0x1] =	wrdreg $0xFFFFFFFF  }
0xad: {  	[dreg:$0x0] =	wrdreg $0x60  }
0xae: {  	[dreg:$0x2] =	wrdreg s24  }
0xaf: {  	[dreg:$0x3] =	wrdreg s2  }
0xb0: {  	[dreg:$0x4] =	wrdreg $0x0  }
0xb1: {  	[dreg:$0x5] =	wrdreg $0x9  }
0xb2: {  	_ =	task.clear_ibuf [dreg:s7], $0x6FFFF;
	_ =	strace $0x90000049  }
0xb3: {  	s29 =	simm.s32 $0x9;
	_ =	strace $0x8000004B  }
0xb4: {  	_ =	swait.ge [sflag:s29], $0x1  }
0xb5: {  	[sflag:s29] =	ssyncadd.s32 $0xFFFFFFFF  }
0xb6: {  	_ =	strace $0x9000004B  }
0xb7: {  	_ =	sfence  }
0xb8: {  	s30 =	sld [smem:$0x0];
	_ =	sdelay $0x2  }
0xb9: {  	s31 =	sshll.u32 s1, $0xD;
	s1 =	sshrl.u32 s1, $0x2  }
0xba: {  	s3 =	sand.u32 $0x4000, s31;
	s1 =	sadd.s32 s1, s30  }
0xbb: {  	s0 =	sor.u32 s3, s0;
	s1 =	sshll.u32 s1, $0x11  }
0xbc: {  	s0 =	sor.u32 s1, s0  }
0xbd: {  	s0 =	sadd.s32 $0x8F2B, s0  }
0xbe: {  	[sflag:s0] =	ssyncadd.remote.s32 $0x1  }
0xbf: {  	_ =	sfence.sel $0xFFFF  }
0xc0: {  	[dreg:$0x0] =	wrdreg $0xFFFFFFFF;
	(pc) =	sbr.abs _section_cstart, $3  }
0xc1: {  	[dreg:$0x1] =	wrdreg $0xFFFFFFFF  }
0xc2: {  	_ =	task.clear_ibuf [dreg:s7], $0x2FFFF;
	_ =	strace $0x9FFFFFFF  }
0xc3: {  	(tm) =	ssettm $0x7FFFFFFF  }
tec
execute0_lowered:
.L_overlay_start_1:
0x0: {  	(tag) =	ssettag $0x1  }
0x1: {  	s0 =	srdreg.scid  }
0x2: {  	s16 =	stileid.u32;
	s3 =	rddreg [dreg:$0x0]  }
0x3: {  	s1 =	simm.s32 $0x0;
	s0 =	sand.u32 $0x1, s0;
	s2 =	smul.u32 $0x140, s16  }
0x4: {  	[smem:$0x7FF] =	sst s1;
	s7 =	smul.u32 $0x14000, s16;
	s8 =	sadd.s32 $0x3EA00, s3  }
0x5: {  	s4 =	ssub.s32 $0x2, s0;
	s5 =	smul.u32 $0x140000, s0;
	s19 =	sshll.u32 s0, $0x8  }
0x6: {  	s6 =	sshrl.u32 s4, $0x1;
	s2 =	sadd.s32 s19, s2;
	s9 =	sor.u32 $0x2000, s7  }
0x7: {  	s11 =	sadd.s32 $0x4000, s7;
	s12 =	sadd.s32 $0x8000, s7;
	s15 =	sadd.s32 $0xA000, s7  }
0x8: {  	s18 =	sadd.s32 $0xC000, s7;
	s4 =	ssub.s32 s4, s6;
	s20 =	sadd.s32 s5, s7  }
0x9: {  	s10 =	sadd.s32 s5, s9;
	s22 =	sadd.s32 s5, s11;
	s13 =	sadd.s32 s5, s12  }
0xa: {  	s26 =	sadd.s32 s5, s15;
	s17 =	sadd.s32 s5, s18;
	s6 =	sshrl.u32 s20, $0x3  }
0xb: {  	s21 =	sshrl.u32 s10, $0x3;
	s23 =	sshrl.u32 s22, $0x3;
	s10 =	sadd.s32 $0x6000, s7  }
0xc: {  	s25 =	sshrl.u32 s13, $0x3;
	s20 =	sadd.s32 $0xE000, s7;
	s6 =	sadd.s32 s8, s6  }
0xd: {  	s24 =	sadd.s32 s5, s10;
	s19 =	sadd.s32 s5, s20;
	[dreg:$0x4] =	wrdreg s6  }
0xe: {  	s6 =	sadd.s32 s8, s21;
	s21 =	sadd.s32 $0x10000, s7;
	s7 =	sadd.s32 $0x12000, s7  }
0xf: {  	[dreg:$0x5] =	wrdreg s6;
	s6 =	sadd.s32 s8, s23;
	s23 =	sadd.s32 s5, s21  }
0x10: {  	s5 =	sadd.s32 s5, s7;
	[dreg:$0x6] =	wrdreg s6;
	s6 =	sshrl.u32 s24, $0x3  }
0x11: {  	s13 =	rddreg [dreg:$0x1];
	s5 =	sshrl.u32 s5, $0x3;
	s6 =	sadd.s32 s8, s6  }
0x12: {  	s5 =	sadd.s32 s8, s5;
	[dreg:$0x7] =	wrdreg s6  }
0x13: {  	s14 =	sshrl.u32 s26, $0x3;
	s6 =	sadd.s32 s8, s25;
	[dreg:$0xd] =	wrdreg s5  }
0x14: {  	[dreg:$0x8] =	wrdreg s6;
	s6 =	sadd.s32 s8, s14  }
0x15: {  	s22 =	sshrl.u32 s19, $0x3;
	[dreg:$0x9] =	wrdreg s6;
	s6 =	sshrl.u32 s17, $0x3  }
0x16: {  	s24 =	sshrl.u32 s23, $0x3;
	s14 =	rddreg [dreg:$0x2];
	s6 =	sadd.s32 s8, s6  }
0x17: {  	s25 =	smul.u32 $0x50000, s16;
	[dreg:$0xa] =	wrdreg s6;
	s6 =	sadd.s32 s8, s22  }
0x18: {  	s16 =	sadd.s32 $0x16A00, s3;
	[dreg:$0xb] =	wrdreg s6;
	s6 =	sadd.s32 s8, s24  }
0x19: {  	s17 =	sadd.s32 $0xCA00, s3;
	s3 =	sadd.s32 $0x1800, s3;
	[dreg:$0xc] =	wrdreg s6  }
0x1a: {  	s5 =	sadd.s32 s11, s14;
	_ =	strace $0x8000004A;
	[dreg:$0xe] =	wrdreg s3  }
0x1b: {  	s6 =	sadd.s32 s10, s14;
	[dreg:$0x11] =	wrdreg s5  }
0x1c: {  	s8 =	sadd.s32 s12, s14;
	[dreg:$0x12] =	wrdreg s6  }
0x1d: {  	s10 =	sadd.s32 s18, s14;
	[dreg:$0x13] =	wrdreg s8  }
0x1e: {  	s26 =	sshrl.u32 s25, $0x2;
	s11 =	sadd.s32 s20, s14;
	[dreg:$0x15] =	wrdreg s10  }
0x1f: {  	s19 =	sadd.s32 s26, s14;
	s12 =	sadd.s32 s21, s14;
	[dreg:$0x16] =	wrdreg s11  }
0x20: {  	s18 =	sadd.s32 $0x2000, s19;
	[dreg:$0x17] =	wrdreg s12  }
0x21: {  	s28 =	simm.s32 $0x16E00;
	s20 =	sadd.s32 $0x4000, s19;
	[dreg:$0x19] =	wrdreg s18  }
0x22: {  	s29 =	simm.s32 $0x16E80;
	s21 =	sadd.s32 $0x6000, s19;
	[dreg:$0x1a] =	wrdreg s20  }
0x23: {  	s30 =	simm.s32 $0x16F00;
	s22 =	sadd.s32 $0x8000, s19;
	[dreg:$0x1b] =	wrdreg s21  }
0x24: {  	s31 =	simm.s32 $0x16F80;
	s23 =	sadd.s32 $0xA000, s19;
	[dreg:$0x1c] =	wrdreg s22  }
0x25: {  	p0 =	sne.s32 s0, $0x0;
	s24 =	sadd.s32 $0xC000, s19;
	[dreg:$0x1d] =	wrdreg s23  }
0x26: {  	s25 =	sadd.s32 $0xE000, s19;
	s26 =	sadd.s32 $0x10000, s19;
	[dreg:$0x1e] =	wrdreg s24  }
0x27: {  	s3 =	smax.u32 s4, $0x1;
	s4 =	sadd.s32 s9, s14;
	[dreg:$0x1f] =	wrdreg s25  }
0x28: {  	s9 =	sadd.s32 s15, s14;
	s15 =	sadd.s32 s7, s14;
	[smem:$0x7FD] =	sst s26  }
0x29: {  	s8 =	sadd.s32 $0x12000, s19;
	s10 =	simm.s32 $0x3;
	s11 =	simm.s32 $0x14000  }
0x2a: {  	s18 =	simm.s32 $0x80;
	s20 =	simm.s32 $0x1B000;
	s21 =	simm.s32 $0x1  }
0x2b: {  	s22 =	simm.s32 $0x40;
	s23 =	simm.s32 $0x19000;
	[dreg:$0xf] =	wrdreg s3  }
0x2c: {  	s24 =	simm.s32 $0x2;
	s25 =	simm.s32 $0x1D000;
	[dreg:$0x10] =	wrdreg s4  }
0x2d: {  	s26 =	simm.s32 $0x14F80;
	s12 =	simm.s32 $0x0;
	[dreg:$0x14] =	wrdreg s9  }
0x2e: {  	[dreg:$0x18] =	wrdreg s15;
	s9 =	simm.s32 $0x17000;
	s15 =	simm.s32 $0x15000  }
.LBB2_1:
0x2f: {  	s0 =	rddreg [dreg:$0xe]  }
0x30: {  	[tilespmem:s9], [sflag:$0x3] =	stream.linear.gather [hbm4b:s0+s1], $0x2000, $0x38;
	[tilespmem:$0x1F000] =	vst v63  }
0x31: {  	_ =	swait.ge [sflag:s10], $0x2000  }
0x32: {  	[sflag:s10] =	ssyncset.done $0x0  }
0x33: {  	[sflag:s10] =	ssyncadd.s32 $0xFFFFE000  }
0x34: {  	[spmem:s19] =	stream.linear.scatter [tilespmem:s9], [sflag:$0x3], $0x2000, $0x38;
	[tilespmem:$0x1F000] =	vst v63  }
0x35: {  	_ =	swait.ge [sflag:s10], $0x2000  }
0x36: {  	[sflag:s10] =	ssyncset.done $0x0  }
0x37: {  	s5 =	rddreg [dreg:$0x19];
	[sflag:s10] =	ssyncadd.s32 $0xFFFFE000  }
0x38: {  	[spmem:s5] =	stream.linear.scatter [tilespmem:s9], [sflag:$0x3], $0x2000, $0x38;
	[tilespmem:$0x1F000] =	vst v63  }
0x39: {  	_ =	swait.ge [sflag:s10], $0x2000  }
0x3a: {  	[sflag:s10] =	ssyncset.done $0x0  }
0x3b: {  	s6 =	rddreg [dreg:$0x1a];
	[sflag:s10] =	ssyncadd.s32 $0xFFFFE000  }
0x3c: {  	[spmem:s6] =	stream.linear.scatter [tilespmem:s9], [sflag:$0x3], $0x2000, $0x38;
	[tilespmem:$0x1F000] =	vst v63  }
0x3d: {  	_ =	swait.ge [sflag:s10], $0x2000  }
0x3e: {  	[sflag:s10] =	ssyncset.done $0x0  }
0x3f: {  	s7 =	rddreg [dreg:$0x1b];
	[sflag:s10] =	ssyncadd.s32 $0xFFFFE000  }
0x40: {  	[spmem:s7] =	stream.linear.scatter [tilespmem:s9], [sflag:$0x3], $0x2000, $0x38;
	[tilespmem:$0x1F000] =	vst v63  }
0x41: {  	_ =	swait.ge [sflag:s10], $0x2000  }
0x42: {  	[sflag:s10] =	ssyncset.done $0x0  }
0x43: {  	s3 =	rddreg [dreg:$0x1c];
	[sflag:s10] =	ssyncadd.s32 $0xFFFFE000  }
0x44: {  	[spmem:s3] =	stream.linear.scatter [tilespmem:s9], [sflag:$0x3], $0x2000, $0x38;
	[tilespmem:$0x1F000] =	vst v63  }
0x45: {  	_ =	swait.ge [sflag:s10], $0x2000  }
0x46: {  	[sflag:s10] =	ssyncset.done $0x0  }
0x47: {  	s4 =	rddreg [dreg:$0x1d];
	[sflag:s10] =	ssyncadd.s32 $0xFFFFE000  }
0x48: {  	[spmem:s4] =	stream.linear.scatter [tilespmem:s9], [sflag:$0x3], $0x2000, $0x38;
	[tilespmem:$0x1F000] =	vst v63  }
0x49: {  	_ =	swait.ge [sflag:s10], $0x2000  }
0x4a: {  	[sflag:s10] =	ssyncset.done $0x0  }
0x4b: {  	s5 =	rddreg [dreg:$0x1e];
	[sflag:s10] =	ssyncadd.s32 $0xFFFFE000  }
0x4c: {  	[spmem:s5] =	stream.linear.scatter [tilespmem:s9], [sflag:$0x3], $0x2000, $0x38;
	[tilespmem:$0x1F000] =	vst v63  }
0x4d: {  	_ =	swait.ge [sflag:s10], $0x2000  }
0x4e: {  	[sflag:s10] =	ssyncset.done $0x0  }
0x4f: {  	s6 =	rddreg [dreg:$0x1f];
	[sflag:s10] =	ssyncadd.s32 $0xFFFFE000  }
0x50: {  	[spmem:s6] =	stream.linear.scatter [tilespmem:s9], [sflag:$0x3], $0x2000, $0x38;
	[tilespmem:$0x1F000] =	vst v63  }
0x51: {  	_ =	swait.ge [sflag:s10], $0x2000  }
0x52: {  	s7 =	sld [smem:$0x7FD]  }
0x53: {  	[sflag:s10] =	ssyncset.done $0x0  }
0x54: {  	[sflag:s10] =	ssyncadd.s32 $0xFFFFE000  }
0x55: {  	[spmem:s7] =	stream.linear.scatter [tilespmem:s9], [sflag:$0x3], $0x2000, $0x38;
	[tilespmem:$0x1F000] =	vst v63  }
0x56: {  	_ =	swait.ge [sflag:s10], $0x2000  }
0x57: {  	[sflag:s10] =	ssyncset.done $0x0  }
0x58: {  	[sflag:s10] =	ssyncadd.s32 $0xFFFFE000  }
0x59: {  	[spmem:s8] =	stream.linear.scatter [tilespmem:s9], [sflag:$0x3], $0x2000, $0x38;
	[tilespmem:$0x1F000] =	vst v63  }
0x5a: {  	_ =	swait.ge [sflag:s10], $0x2000  }
0x5b: {  	[sflag:s10] =	ssyncset.done $0x0  }
0x5c: {  	[sflag:s10] =	ssyncadd.s32 $0xFFFFE000  }
0x5d: {  	s0 =	simm.s32 $0x0;
	[bflag:$0x0] =	sbarrier.arrive $0xFFFF  }
.LBB2_2:
0x5e: {  	s3 =	sshll.u32 s0, $0x6  }
0x5f: {  	s3 =	sadd.s32 s3, s2  }
0x60: {  	s4 =	sshll.u32 s3, $0x3  }
0x61: {  	s5 =	simm.s32 $0x0;
	s4 =	sadd.s32 s17, s4  }
0x62: {  	[tilespmem:s11], [sflag:$0x3] =	stream.linear.gather [hbm4b:s4+s5], $0x1000, $0x38;
	[tilespmem:$0x1F000] =	vst v63  }
0x63: {  	_ =	swait.ge [sflag:s10], $0x1000  }
0x64: {  	s3 =	sshll.u32 s3, $0x4;
	[sflag:s10] =	ssyncset.done $0x0  }
0x65: {  	s3 =	sadd.s32 s13, s3;
	[sflag:s10] =	ssyncadd.s32 $0xFFFFF000  }
0x66: {  	[tilespmem:s15], [sflag:$0x3] =	stream.linear.gather [hbm4b:s3+s5], $0x2000, $0x38;
	[tilespmem:$0x1F000] =	vst v63  }
0x67: {  	_ =	swait.ge [sflag:s10], $0x2000  }
0x68: {  	[sflag:s10] =	ssyncset.done $0x0  }
0x69: {  	[sflag:s10] =	ssyncadd.s32 $0xFFFFE000  }
0x6a: {  	[tilespmem:s9], [sflag:$0x1] =	stream.indirect.gather [hbm4b:s16+s18], $0x80, s11, s18, $0xb8;
	[tilespmem:$0x1F000] =	vst v63  }
0x6b: {  	s6 =	simm.s32 $0x14080  }
0x6c: {  	[tilespmem:s20], [sflag:$0x2] =	stream.indirect.gather [hbm4b:s16+s18], $0x80, s6, s18, $0xb8;
	[tilespmem:$0x1F000] =	vst v63  }
0x6d: {  	_ =	swait.ge [sflag:s21], $0x4000  }
0x6e: {  	[sflag:s21] =	ssyncset.done $0x0  }
0x6f: {  	s7 =	simm.s32 $0x15000;
	[sflag:s21] =	ssyncadd.s32 $0xFFFFC000  }
0x70: {  	[spmem:s14] =	stream.indirect.scatter.add.f32 [tilespmem:s9], [sflag:$0x3], $0x80, s7, s22, $0xb8;
	[tilespmem:$0x1F000] =	vst v63  }
0x71: {  	_ =	swait.ge [sflag:s10], $0x2000  }
0x72: {  	[sflag:s10] =	ssyncset.done $0x0  }
0x73: {  	s4 =	simm.s32 $0x15080;
	[sflag:s10] =	ssyncadd.s32 $0xFFFFE000  }
0x74: {  	[spmem:s14] =	stream.indirect.scatter.add.f32 [tilespmem:s23], [sflag:$0x3], $0x80, s4, s22, $0xb8;
	[tilespmem:$0x1F000] =	vst v63  }
0x75: {  	_ =	swait.ge [sflag:s10], $0x2000  }
0x76: {  	[sflag:s10] =	ssyncset.done $0x0  }
0x77: {  	s5 =	simm.s32 $0x14100;
	[sflag:s10] =	ssyncadd.s32 $0xFFFFE000  }
0x78: {  	[tilespmem:s9], [sflag:$0x1] =	stream.indirect.gather [hbm4b:s16+s18], $0x80, s5, s18, $0xb8;
	[tilespmem:$0x1F000] =	vst v63  }
0x79: {  	_ =	swait.ge [sflag:s24], $0x4000  }
0x7a: {  	[sflag:s24] =	ssyncset.done $0x0  }
0x7b: {  	s6 =	simm.s32 $0x15100;
	[sflag:s24] =	ssyncadd.s32 $0xFFFFC000  }
0x7c: {  	[spmem:s14] =	stream.indirect.scatter.add.f32 [tilespmem:s20], [sflag:$0x3], $0x80, s6, s22, $0xb8;
	[tilespmem:$0x1F000] =	vst v63  }
0x7d: {  	_ =	swait.ge [sflag:s10], $0x2000  }
0x7e: {  	[sflag:s10] =	ssyncset.done $0x0  }
0x7f: {  	s7 =	simm.s32 $0x15180;
	[sflag:s10] =	ssyncadd.s32 $0xFFFFE000  }
0x80: {  	[spmem:s14] =	stream.indirect.scatter.add.f32 [tilespmem:s25], [sflag:$0x3], $0x80, s7, s22, $0xb8;
	[tilespmem:$0x1F000] =	vst v63  }
0x81: {  	s3 =	simm.s32 $0x14200;
	_ =	swait.ge [sflag:s10], $0x2000  }
0x82: {  	s4 =	simm.s32 $0x800;
	s5 =	simm.s32 $0x1000;
	[sflag:s10] =	ssyncset.done $0x0  }
.LBB2_3:
0x83: {  	p1 =	sne.s32 s5, $0x7000;
	s6 =	sadd.s32 $0xFFFFFF80, s3;
	[sflag:s10] =	ssyncadd.s32 $0xFFFFE000  }
0x84: {  	[tilespmem:s20], [sflag:$0x2] =	stream.indirect.gather [hbm4b:s16+s18], $0x80, s6, s18, $0xb8;
	[tilespmem:$0x1F000] =	vst v63  }
0x85: {  	s6 =	smov.u32 s5;
	s5 =	sadd.s32 $0x800, s5;
	_ =	swait.ge [sflag:s21], $0x4000  }
0x86: {  	s7 =	sshra.s32 s4, $0x2;
	s4 =	smov.u32 s6;
	[sflag:s21] =	ssyncset.done $0x0  }
0x87: {  	s6 =	sadd.s32 $0x15000, s7;
	[sflag:s21] =	ssyncadd.s32 $0xFFFFC000  }
0x88: {  	[spmem:s14] =	stream.indirect.scatter.add.f32 [tilespmem:s9], [sflag:$0x3], $0x80, s6, s22, $0xb8;
	[tilespmem:$0x1F000] =	vst v63  }
0x89: {  	_ =	swait.ge [sflag:s10], $0x2000  }
0x8a: {  	[sflag:s10] =	ssyncset.done $0x0  }
0x8b: {  	s6 =	sadd.s32 $0x15080, s7;
	[sflag:s10] =	ssyncadd.s32 $0xFFFFE000  }
0x8c: {  	[spmem:s14] =	stream.indirect.scatter.add.f32 [tilespmem:s23], [sflag:$0x3], $0x80, s6, s22, $0xb8;
	[tilespmem:$0x1F000] =	vst v63  }
0x8d: {  	_ =	swait.ge [sflag:s10], $0x2000  }
0x8e: {  	[sflag:s10] =	ssyncset.done $0x0  }
0x8f: {  	[sflag:s10] =	ssyncadd.s32 $0xFFFFE000  }
0x90: {  	[tilespmem:s9], [sflag:$0x1] =	stream.indirect.gather [hbm4b:s16+s18], $0x80, s3, s18, $0xb8;
	[tilespmem:$0x1F000] =	vst v63  }
0x91: {  	_ =	swait.ge [sflag:s24], $0x4000  }
0x92: {  	[sflag:s24] =	ssyncset.done $0x0  }
0x93: {  	s6 =	sadd.s32 $0x15100, s7;
	[sflag:s24] =	ssyncadd.s32 $0xFFFFC000  }
0x94: {  	[spmem:s14] =	stream.indirect.scatter.add.f32 [tilespmem:s20], [sflag:$0x3], $0x80, s6, s22, $0xb8;
	[tilespmem:$0x1F000] =	vst v63  }
0x95: {  	_ =	swait.ge [sflag:s10], $0x2000  }
.Ltmp0:
0x96: {  	[sflag:s10] =	ssyncset.done $0x0;
	(pc) =	sbr.rel @p1 .LBB2_3-.Ltmp0, $4  }
0x97: {  	s6 =	sadd.s32 $0x15180, s7;
	[sflag:s10] =	ssyncadd.s32 $0xFFFFE000  }
0x98: {  	[spmem:s14] =	stream.indirect.scatter.add.f32 [tilespmem:s25], [sflag:$0x3], $0x80, s6, s22, $0xb8;
	[tilespmem:$0x1F000] =	vst v63  }
0x99: {  	_ =	swait.ge [sflag:s10], $0x2000  }
0x9a: {  	s3 =	sadd.s32 $0x100, s3;
	[sflag:s10] =	ssyncset.done $0x0  }
0x9b: {  	s5 =	sadd.s32 $0xFFFFFF80, s3;
	[sflag:s10] =	ssyncadd.s32 $0xFFFFE000  }
0x9c: {  	[tilespmem:s20], [sflag:$0x2] =	stream.indirect.gather [hbm4b:s16+s18], $0x80, s5, s18, $0xb8;
	[tilespmem:$0x1F000] =	vst v63  }
0x9d: {  	_ =	swait.ge [sflag:s21], $0x4000  }
0x9e: {  	s4 =	sshra.s32 s4, $0x2;
	[sflag:s21] =	ssyncset.done $0x0  }
0x9f: {  	s6 =	sadd.s32 $0x15000, s4;
	[sflag:s21] =	ssyncadd.s32 $0xFFFFC000  }
0xa0: {  	[spmem:s14] =	stream.indirect.scatter.add.f32 [tilespmem:s9], [sflag:$0x3], $0x80, s6, s22, $0xb8;
	[tilespmem:$0x1F000] =	vst v63  }
0xa1: {  	_ =	swait.ge [sflag:s10], $0x2000  }
0xa2: {  	[sflag:s10] =	ssyncset.done $0x0  }
0xa3: {  	s7 =	sadd.s32 $0x15080, s4;
	[sflag:s10] =	ssyncadd.s32 $0xFFFFE000  }
0xa4: {  	[spmem:s14] =	stream.indirect.scatter.add.f32 [tilespmem:s23], [sflag:$0x3], $0x80, s7, s22, $0xb8;
	[tilespmem:$0x1F000] =	vst v63  }
0xa5: {  	_ =	swait.ge [sflag:s10], $0x2000  }
0xa6: {  	[sflag:s10] =	ssyncset.done $0x0  }
0xa7: {  	[sflag:s10] =	ssyncadd.s32 $0xFFFFE000  }
0xa8: {  	[tilespmem:s9], [sflag:$0x1] =	stream.indirect.gather [hbm4b:s16+s18], $0x80, s3, s18, $0xb8;
	[tilespmem:$0x1F000] =	vst v63  }
0xa9: {  	_ =	swait.ge [sflag:s24], $0x4000  }
0xaa: {  	[sflag:s24] =	ssyncset.done $0x0  }
0xab: {  	s6 =	sadd.s32 $0x15100, s4;
	[sflag:s24] =	ssyncadd.s32 $0xFFFFC000  }
0xac: {  	[spmem:s14] =	stream.indirect.scatter.add.f32 [tilespmem:s20], [sflag:$0x3], $0x80, s6, s22, $0xb8;
	[tilespmem:$0x1F000] =	vst v63  }
0xad: {  	_ =	swait.ge [sflag:s10], $0x2000  }
0xae: {  	[sflag:s10] =	ssyncset.done $0x0  }
0xaf: {  	s7 =	sadd.s32 $0x15180, s4;
	[sflag:s10] =	ssyncadd.s32 $0xFFFFE000  }
0xb0: {  	[spmem:s14] =	stream.indirect.scatter.add.f32 [tilespmem:s25], [sflag:$0x3], $0x80, s7, s22, $0xb8;
	[tilespmem:$0x1F000] =	vst v63  }
0xb1: {  	_ =	swait.ge [sflag:s10], $0x2000  }
0xb2: {  	[sflag:s10] =	ssyncset.done $0x0  }
0xb3: {  	[sflag:s10] =	ssyncadd.s32 $0xFFFFE000  }
0xb4: {  	[tilespmem:s20], [sflag:$0x2] =	stream.indirect.gather [hbm4b:s16+s18], $0x80, s26, s18, $0xb8;
	[tilespmem:$0x1F000] =	vst v63  }
0xb5: {  	_ =	swait.ge [sflag:s21], $0x4000  }
0xb6: {  	[sflag:s21] =	ssyncset.done $0x0  }
0xb7: {  	[sflag:s21] =	ssyncadd.s32 $0xFFFFC000  }
0xb8: {  	[spmem:s14] =	stream.indirect.scatter.add.f32 [tilespmem:s9], [sflag:$0x3], $0x80, s28, s22, $0xb8;
	[tilespmem:$0x1F000] =	vst v63  }
0xb9: {  	_ =	swait.ge [sflag:s10], $0x2000  }
0xba: {  	[sflag:s10] =	ssyncset.done $0x0  }
0xbb: {  	[sflag:s10] =	ssyncadd.s32 $0xFFFFE000  }
0xbc: {  	[spmem:s14] =	stream.indirect.scatter.add.f32 [tilespmem:s23], [sflag:$0x3], $0x80, s29, s22, $0xb8;
	[tilespmem:$0x1F000] =	vst v63  }
0xbd: {  	_ =	swait.ge [sflag:s10], $0x2000  }
0xbe: {  	[sflag:s10] =	ssyncset.done $0x0  }
0xbf: {  	[sflag:s10] =	ssyncadd.s32 $0xFFFFE000  }
0xc0: {  	_ =	swait.ge [sflag:s24], $0x4000  }
0xc1: {  	[sflag:s24] =	ssyncset.done $0x0  }
0xc2: {  	[sflag:s24] =	ssyncadd.s32 $0xFFFFC000  }
0xc3: {  	[spmem:s14] =	stream.indirect.scatter.add.f32 [tilespmem:s20], [sflag:$0x3], $0x80, s30, s22, $0xb8;
	[tilespmem:$0x1F000] =	vst v63  }
0xc4: {  	p1 =	slt.u32 @!p0 s0, $0x3;
	_ =	swait.ge [sflag:s10], $0x2000  }
0xc5: {  	p1 =	por p0, !p1;
	[sflag:s10] =	ssyncset.done $0x0  }
.Ltmp1:
0xc6: {  	[sflag:s10] =	ssyncadd.s32 $0xFFFFE000;
	(pc) =	sbr.rel @!p1 .LBB2_2-.Ltmp1, $4  }
0xc7: {  	[spmem:s14] =	stream.indirect.scatter.add.f32 [tilespmem:s25], [sflag:$0x3], $0x80, s31, s22, $0xb8;
	[tilespmem:$0x1F000] =	vst v63  }
0xc8: {  	_ =	swait.ge [sflag:s10], $0x2000  }
0xc9: {  	[sflag:s10] =	ssyncset.done $0x0  }
0xca: {  	s0 =	sadd.s32 $0x1, s0;
	[sflag:s10] =	ssyncadd.s32 $0xFFFFE000  }
0xcb: {  	[bflag:$0x0] =	sbarrier.arrive $0xFFFF  }
0xcc: {  	[tilespmem:s9], [sflag:$0x3] =	stream.linear.gather [spmem:s19], $0x2000, $0x38;
	[tilespmem:$0x1F000] =	vst v63  }
0xcd: {  	_ =	swait.ge [sflag:s10], $0x2000  }
0xce: {  	[sflag:s10] =	ssyncset.done $0x0  }
0xcf: {  	s0 =	rddreg [dreg:$0x4];
	[sflag:s10] =	ssyncadd.s32 $0xFFFFE000  }
0xd0: {  	[hbm4b:s0+s1] =	stream.linear.scatter [tilespmem:s9], [sflag:$0x3], $0x2000, $0x38;
	[tilespmem:$0x1F000] =	vst v63  }
0xd1: {  	_ =	swait.ge [sflag:s10], $0x2000  }
0xd2: {  	[sflag:s10] =	ssyncset.done $0x0  }
0xd3: {  	s4 =	rddreg [dreg:$0x10];
	[sflag:s10] =	ssyncadd.s32 $0xFFFFE000  }
0xd4: {  	[tilespmem:s9], [sflag:$0x3] =	stream.linear.gather [spmem:s4], $0x2000, $0x38;
	[tilespmem:$0x1F000] =	vst v63  }
0xd5: {  	_ =	swait.ge [sflag:s10], $0x2000  }
0xd6: {  	[sflag:s10] =	ssyncset.done $0x0  }
0xd7: {  	s5 =	rddreg [dreg:$0x5];
	[sflag:s10] =	ssyncadd.s32 $0xFFFFE000  }
0xd8: {  	[hbm4b:s5+s1] =	stream.linear.scatter [tilespmem:s9], [sflag:$0x3], $0x2000, $0x38;
	[tilespmem:$0x1F000] =	vst v63  }
0xd9: {  	_ =	swait.ge [sflag:s10], $0x2000  }
0xda: {  	[sflag:s10] =	ssyncset.done $0x0  }
0xdb: {  	s6 =	rddreg [dreg:$0x11];
	[sflag:s10] =	ssyncadd.s32 $0xFFFFE000  }
0xdc: {  	[tilespmem:s9], [sflag:$0x3] =	stream.linear.gather [spmem:s6], $0x2000, $0x38;
	[tilespmem:$0x1F000] =	vst v63  }
0xdd: {  	_ =	swait.ge [sflag:s10], $0x2000  }
0xde: {  	[sflag:s10] =	ssyncset.done $0x0  }
0xdf: {  	s7 =	rddreg [dreg:$0x6];
	[sflag:s10] =	ssyncadd.s32 $0xFFFFE000  }
0xe0: {  	[hbm4b:s7+s1] =	stream.linear.scatter [tilespmem:s9], [sflag:$0x3], $0x2000, $0x38;
	[tilespmem:$0x1F000] =	vst v63  }
0xe1: {  	_ =	swait.ge [sflag:s10], $0x2000  }
0xe2: {  	[sflag:s10] =	ssyncset.done $0x0  }
0xe3: {  	s3 =	rddreg [dreg:$0x12];
	[sflag:s10] =	ssyncadd.s32 $0xFFFFE000  }
0xe4: {  	[tilespmem:s9], [sflag:$0x3] =	stream.linear.gather [spmem:s3], $0x2000, $0x38;
	[tilespmem:$0x1F000] =	vst v63  }
0xe5: {  	_ =	swait.ge [sflag:s10], $0x2000  }
0xe6: {  	[sflag:s10] =	ssyncset.done $0x0  }
0xe7: {  	s4 =	rddreg [dreg:$0x7];
	[sflag:s10] =	ssyncadd.s32 $0xFFFFE000  }
0xe8: {  	[hbm4b:s4+s1] =	stream.linear.scatter [tilespmem:s9], [sflag:$0x3], $0x2000, $0x38;
	[tilespmem:$0x1F000] =	vst v63  }
0xe9: {  	_ =	swait.ge [sflag:s10], $0x2000  }
0xea: {  	[sflag:s10] =	ssyncset.done $0x0  }
0xeb: {  	s5 =	rddreg [dreg:$0x13];
	[sflag:s10] =	ssyncadd.s32 $0xFFFFE000  }
0xec: {  	[tilespmem:s9], [sflag:$0x3] =	stream.linear.gather [spmem:s5], $0x2000, $0x38;
	[tilespmem:$0x1F000] =	vst v63  }
0xed: {  	_ =	swait.ge [sflag:s10], $0x2000  }
0xee: {  	[sflag:s10] =	ssyncset.done $0x0  }
0xef: {  	s6 =	rddreg [dreg:$0x8];
	[sflag:s10] =	ssyncadd.s32 $0xFFFFE000  }
0xf0: {  	[hbm4b:s6+s1] =	stream.linear.scatter [tilespmem:s9], [sflag:$0x3], $0x2000, $0x38;
	[tilespmem:$0x1F000] =	vst v63  }
0xf1: {  	_ =	swait.ge [sflag:s10], $0x2000  }
0xf2: {  	[sflag:s10] =	ssyncset.done $0x0  }
0xf3: {  	s7 =	rddreg [dreg:$0x14];
	[sflag:s10] =	ssyncadd.s32 $0xFFFFE000  }
0xf4: {  	[tilespmem:s9], [sflag:$0x3] =	stream.linear.gather [spmem:s7], $0x2000, $0x38;
	[tilespmem:$0x1F000] =	vst v63  }
0xf5: {  	_ =	swait.ge [sflag:s10], $0x2000  }
0xf6: {  	[sflag:s10] =	ssyncset.done $0x0  }
0xf7: {  	s3 =	rddreg [dreg:$0x9];
	[sflag:s10] =	ssyncadd.s32 $0xFFFFE000  }
0xf8: {  	[hbm4b:s3+s1] =	stream.linear.scatter [tilespmem:s9], [sflag:$0x3], $0x2000, $0x38;
	[tilespmem:$0x1F000] =	vst v63  }
0xf9: {  	_ =	swait.ge [sflag:s10], $0x2000  }
0xfa: {  	[sflag:s10] =	ssyncset.done $0x0  }
0xfb: {  	s4 =	rddreg [dreg:$0x15];
	[sflag:s10] =	ssyncadd.s32 $0xFFFFE000  }
0xfc: {  	[tilespmem:s9], [sflag:$0x3] =	stream.linear.gather [spmem:s4], $0x2000, $0x38;
	[tilespmem:$0x1F000] =	vst v63  }
0xfd: {  	_ =	swait.ge [sflag:s10], $0x2000  }
0xfe: {  	[sflag:s10] =	ssyncset.done $0x0  }
0xff: {  	s5 =	rddreg [dreg:$0xa];
	[sflag:s10] =	ssyncadd.s32 $0xFFFFE000  }
0x100: {  	[hbm4b:s5+s1] =	stream.linear.scatter [tilespmem:s9], [sflag:$0x3], $0x2000, $0x38;
	[tilespmem:$0x1F000] =	vst v63  }
0x101: {  	_ =	swait.ge [sflag:s10], $0x2000  }
0x102: {  	[sflag:s10] =	ssyncset.done $0x0  }
0x103: {  	s6 =	rddreg [dreg:$0x16];
	[sflag:s10] =	ssyncadd.s32 $0xFFFFE000  }
0x104: {  	[tilespmem:s9], [sflag:$0x3] =	stream.linear.gather [spmem:s6], $0x2000, $0x38;
	[tilespmem:$0x1F000] =	vst v63  }
0x105: {  	_ =	swait.ge [sflag:s10], $0x2000  }
0x106: {  	[sflag:s10] =	ssyncset.done $0x0  }
0x107: {  	s7 =	rddreg [dreg:$0xb];
	[sflag:s10] =	ssyncadd.s32 $0xFFFFE000  }
0x108: {  	[hbm4b:s7+s1] =	stream.linear.scatter [tilespmem:s9], [sflag:$0x3], $0x2000, $0x38;
	[tilespmem:$0x1F000] =	vst v63  }
0x109: {  	_ =	swait.ge [sflag:s10], $0x2000  }
0x10a: {  	[sflag:s10] =	ssyncset.done $0x0  }
0x10b: {  	s3 =	rddreg [dreg:$0x17];
	[sflag:s10] =	ssyncadd.s32 $0xFFFFE000  }
0x10c: {  	[tilespmem:s9], [sflag:$0x3] =	stream.linear.gather [spmem:s3], $0x2000, $0x38;
	[tilespmem:$0x1F000] =	vst v63  }
0x10d: {  	_ =	swait.ge [sflag:s10], $0x2000  }
0x10e: {  	[sflag:s10] =	ssyncset.done $0x0  }
0x10f: {  	s4 =	rddreg [dreg:$0xc];
	[sflag:s10] =	ssyncadd.s32 $0xFFFFE000  }
0x110: {  	[hbm4b:s4+s1] =	stream.linear.scatter [tilespmem:s9], [sflag:$0x3], $0x2000, $0x38;
	[tilespmem:$0x1F000] =	vst v63  }
0x111: {  	_ =	swait.ge [sflag:s10], $0x2000  }
0x112: {  	[sflag:s10] =	ssyncset.done $0x0  }
0x113: {  	s5 =	rddreg [dreg:$0x18];
	[sflag:s10] =	ssyncadd.s32 $0xFFFFE000  }
0x114: {  	[tilespmem:s9], [sflag:$0x3] =	stream.linear.gather [spmem:s5], $0x2000, $0x38;
	[tilespmem:$0x1F000] =	vst v63  }
0x115: {  	_ =	swait.ge [sflag:s10], $0x2000  }
0x116: {  	[sflag:s10] =	ssyncset.done $0x0  }
0x117: {  	s6 =	rddreg [dreg:$0xd];
	[sflag:s10] =	ssyncadd.s32 $0xFFFFE000  }
0x118: {  	[hbm4b:s6+s1] =	stream.linear.scatter [tilespmem:s9], [sflag:$0x3], $0x2000, $0x38;
	[tilespmem:$0x1F000] =	vst v63  }
0x119: {  	_ =	swait.ge [sflag:s10], $0x2000  }
0x11a: {  	s12 =	sadd.s32 $0x1, s12;
	s7 =	rddreg [dreg:$0xf]  }
0x11b: {  	p1 =	sne.s32 s12, s7  }
.Ltmp2:
0x11c: {  	_ = 	snop;
	(pc) =	sbr.rel @p1 .LBB2_1-.Ltmp2, $3  }
0x11d: {  	_ =	sdelay $0x1  }
0x11e: {  	[sflag:s10] =	ssyncset.done $0x0  }
0x11f: {  	[sflag:s10] =	ssyncadd.s32 $0xFFFFE000  }
0x120: {  	_ =	sfence.sel $0x180000  }
0x121: {  	[bflag:$0x0] =	sbarrier.arrive $0xFFFF  }
0x122: {  	_ =	strace $0x9000004A  }
0x123: {  	s0 =	stileid.u32;
	[bflag:$0x2] =	sbarrier.arrive $0xFFFF  }
0x124: {  	p0 =	sne.s32 s0, $0x0;
	s0 =	rddreg [dreg:$0x3]  }
0x125: {  	s0 =	sadd.s32 @!p0 $0x100000, s0  }
0x126: {  	[sflag:s0] =	ssyncadd.tile.s32 @!p0 $0x1;
	_ =	shalt  }
.Lfunc_end2:
_tile_overlayer_lowered:
.L_overlay_start_2:
0x127: {  	(tag) =	ssettag $0x2  }
0x128: {  	s0 =	rddreg [dreg:$0x0];
	s2 =	stileid.u32  }
0x129: {  	s1 =	rddreg [dreg:$0x1];
	p0 =	sne.s32 s2, $0x0  }
0x12a: {  	s3 =	rddreg [dreg:$0x2];
	[bflag:$0x3] =	sbarrier.arrive $0xFFFF;
	s2 =	simm.s32 @!p0 $0x1C03  }
0x12b: {  	[timem:s3], [sflag:s2] =	dma.local @!p0 [hbm:s0], s1  }
0x12c: {  	s0 =	simm.s32 @!p0 $0x3  }
0x12d: {  	_ =	swait.ge @!p0 [sflag:s0], s1  }
0x12e: {  	s1 =	ssub.s32 @!p0 $0x0, s1;
	[sflag:s0] =	ssyncset.done @!p0 $0x0  }
0x12f: {  	[sflag:s0] =	ssyncadd.s32 @!p0 s1  }
0x130: {  	[bflag:$0x3] =	sbarrier.arrive $0xFFFF  }
0x131: {  	_ =	shalt  }

</sc_bundles>
